<compile_context>
chip_gen: v7x
topology: tpu7x:2x2x1
jax: 0.10.2.dev20260603
libtpu: 0.0.44.dev20260713+nightly
codegen_flags: <defaults>
</compile_context>

<pallas_src>
import functools

import jax
import jax.numpy as jnp
from jax import lax
from jax.experimental import pallas as pl
from jax.experimental.pallas import tpu as pltpu
from jax.experimental.pallas import tpu_sc as plsc

_B, _N, _K = 128, 512, 512
_L = 16
_NC = 2
_NS = 16
_NW = _NC * _NS
_CHUNK = (_B * _K) // _NW
_VPC = _CHUNK // _L
_GATHER = 128
_NG = _CHUNK // _GATHER
_VR_PER_B = _K // _L
_BATCH_PER_W = _CHUNK // _K


def _sc_body(se_hbm, row_hbm, col_hbm, out_hbm,
             rows_v, cols_v, idx_v, vals_v, stage_v, sem_in, sem_a, sem_b):
    wid = lax.axis_index("s") * _NC + lax.axis_index("c")
    base = wid * _CHUNK
    half = _CHUNK // 2
    cps = [pltpu.async_copy(row_hbm.at[pl.ds(base, half)],
                            rows_v.at[pl.ds(0, half)], sem_in),
           pltpu.async_copy(col_hbm.at[pl.ds(base, half)],
                            cols_v.at[pl.ds(0, half)], sem_in),
           pltpu.async_copy(row_hbm.at[pl.ds(base + half, half)],
                            rows_v.at[pl.ds(half, half)], sem_in),
           pltpu.async_copy(col_hbm.at[pl.ds(base + half, half)],
                            cols_v.at[pl.ds(half, half)], sem_in)]
    cps[0].wait()
    cps[1].wait()

    def _fire(j, sem):
        for t in range(_GATHER // _L):
            i = j * (_GATHER // _L) + t
            b = wid * _BATCH_PER_W + (i // _VR_PER_B)
            r = rows_v[pl.ds(i * _L, _L)]
            c = cols_v[pl.ds(i * _L, _L)]
            flat = ((r >> 3) * (8 * 128 * (_N // 128)) + (c >> 7) * (8 * 128)
                    + (r & 7) * 128 + (c & 127) + b * (_N * _N))
            idx_v[j, pl.ds(t * _L, _L)] = flat
        pltpu.async_copy(
            se_hbm.at[idx_v.at[j]],
            vals_v.at[j // (_NG // 2), pl.ds((j % (_NG // 2)) * _GATHER,
                                             _GATHER)],
            sem)

    def _fire_a(j, carry):
        _fire(j, sem_a)
        return carry

    def _fire_b(j, carry):
        _fire(j, sem_b)
        return carry

    lax.fori_loop(0, _NG // 2, _fire_a, 0, unroll=False)
    cps[2].wait()
    cps[3].wait()
    lax.fori_loop(_NG // 2, _NG, _fire_b, 0, unroll=False)

    def _acc_body(j, accs):
        a0, a1, a2, a3 = accs
        g = j // (_NG // 2)
        base = (j % (_NG // 2)) * _GATHER
        a0 = a0 + vals_v[g, pl.ds(base + 0 * _L, _L)] \
                + vals_v[g, pl.ds(base + 4 * _L, _L)]
        a1 = a1 + vals_v[g, pl.ds(base + 1 * _L, _L)] \
                + vals_v[g, pl.ds(base + 5 * _L, _L)]
        a2 = a2 + vals_v[g, pl.ds(base + 2 * _L, _L)] \
                + vals_v[g, pl.ds(base + 6 * _L, _L)]
        a3 = a3 + vals_v[g, pl.ds(base + 3 * _L, _L)] \
                + vals_v[g, pl.ds(base + 7 * _L, _L)]
        return (a0, a1, a2, a3)

    zero = jnp.zeros((_L,), jnp.float32)
    pltpu.make_async_copy(se_hbm.at[pl.ds(0, _CHUNK // 2)],
                          vals_v.at[0], sem_a).wait()
    accs = lax.fori_loop(0, _NG // 2, _acc_body, (zero, zero, zero, zero),
                         unroll=False)
    pltpu.make_async_copy(se_hbm.at[pl.ds(0, _CHUNK // 2)],
                          vals_v.at[1], sem_b).wait()
    accs = lax.fori_loop(_NG // 2, _NG, _acc_body, accs, unroll=False)

    stage_v[...] = (accs[0] + accs[1]) + (accs[2] + accs[3])
    pltpu.sync_copy(stage_v, out_hbm.at[wid])


_sc_call = functools.partial(
    pl.kernel,
    mesh=plsc.VectorSubcoreMesh(core_axis_name="c", subcore_axis_name="s",
                                num_cores=_NC),
    out_type=jax.ShapeDtypeStruct((_NW, _L), jnp.float32),
    scratch_types=[
        pltpu.VMEM((_CHUNK,), jnp.int32),
        pltpu.VMEM((_CHUNK,), jnp.int32),
        pltpu.VMEM((_NG, _GATHER), jnp.int32),
        pltpu.VMEM((2, _CHUNK // 2), jnp.float32),
        pltpu.VMEM((_L,), jnp.float32),
        pltpu.SemaphoreType.DMA,
        pltpu.SemaphoreType.DMA,
        pltpu.SemaphoreType.DMA,
    ],
)(_sc_body)


def _tc_red_body(p_ref, o_ref):
    o_ref[0, 0] = jnp.sum(p_ref[...]) * (1.0 / float(_B * _K))


_tc_red = pl.pallas_call(
    _tc_red_body,
    out_shape=jax.ShapeDtypeStruct((1, 1), jnp.float32),
    out_specs=pl.BlockSpec(memory_space=pltpu.SMEM),
)


def kernel(squared_error, row_idx, col_idx):
    se_flat = (squared_error
               .reshape(_B, _N // 8, 8, _N // 128, 128)
               .transpose(0, 1, 3, 2, 4)
               .reshape(-1))
    rows = row_idx.astype(jnp.int32).reshape(-1)
    cols = col_idx.astype(jnp.int32).reshape(-1)
    partials = _sc_call(se_flat, rows, cols)
    out = _tc_red(partials)
    return out[0, 0]

# --- scband reference (transcript-rebuilt; emitter-appended) ---
"""Pipeline reference for scband-matching-65335042506977 (READ-ONLY COPY).

The authoritative reference and input builder live on the scoring server;
editing this copy changes nothing except your own understanding.
"""

import jax, jax.numpy as jnp
import numpy as np


def setup_inputs(seed: int = 0) -> dict:
    key = jax.random.key(seed)
    k1, k2, k3 = jax.random.split(key, 3)
    B, N, K = 128, 512, 512
    squared_error = jax.random.uniform(k1, (B, N, N), dtype=jnp.float32)
    row_idx = jax.random.randint(k2, (B, K), 0, N, dtype=jnp.int64)
    col_idx = jax.random.randint(k3, (B, K), 0, N, dtype=jnp.int64)
    return {"squared_error": squared_error, "row_idx": row_idx, "col_idx": col_idx}


def reference(squared_error, row_idx, col_idx):
    # Faithful translation of Matching.forward with a single sample containing a
    # single (indices, errors) layer. The torch code iterates over batch elements:
    #   losses = [sample[b][row_idx_b, col_idx_b].mean() for each b]
    #   loss_matching = mean(stack(losses))
    # and the outer loops reduce to that value (mean over singleton stacks).
    B = squared_error.shape[0]
    batch_ar = jnp.arange(B)[:, None]
    gathered = squared_error[batch_ar, row_idx, col_idx]  # [B, K] gather from [B, N, N]
    per_sample = jnp.mean(gathered, axis=1)               # mean per batch element
    loss_matching = jnp.mean(per_sample)                  # mean over batch (stack + mean)
    # sample loss = 0.0 + loss_matching; output = mean(stack([sample_loss]))
    output = jnp.mean(jnp.stack([0.0 + loss_matching]))
    return output

if __name__ == "__main__":
    import jax
    _d = setup_inputs()
    print(jax.jit(kernel)(*tuple(_d.values())))

</pallas_src>

<mosaic_0001>
#map = affine_map<(d0, d1) -> (0)>
#map1 = affine_map<(d0, d1) -> (0, 0)>
module attributes {stable_mosaic.version = 14 : i64} {
  func.func @_sc_body(%arg0: i32, %arg1: i32, %arg2: memref<33554432xf32, #tpu.memory_space<hbm>>, %arg3: memref<65536xi32, #tpu.memory_space<hbm>>, %arg4: memref<65536xi32, #tpu.memory_space<hbm>>, %arg5: memref<32x16xf32, #tpu.memory_space<hbm>>, %arg6: memref<2048xi32, #tpu.memory_space<vmem>>, %arg7: memref<2048xi32, #tpu.memory_space<vmem>>, %arg8: memref<16x128xi32, #tpu.memory_space<vmem>>, %arg9: memref<2x1024xf32, #tpu.memory_space<vmem>>, %arg10: memref<16xf32, #tpu.memory_space<vmem>>, %arg11: memref<!tpu.dma_semaphore, #tpu.memory_space<semaphore_mem>>, %arg12: memref<!tpu.dma_semaphore, #tpu.memory_space<semaphore_mem>>, %arg13: memref<!tpu.dma_semaphore, #tpu.memory_space<semaphore_mem>>) attributes {dimension_semantics = [#tpu.dimension_semantics<core_parallel>, #tpu.dimension_semantics<subcore_parallel>], iteration_bounds = array<i64: 2, 16>, scalar_prefetch = 0 : i64, scratch_operands = 8 : i64, tpu.core_type = #tpu.core_type<sc_vector_subcore>, window_params = [{transform_indices = #map}, {transform_indices = #map}, {transform_indices = #map}, {transform_indices = #map1}]} {
    %mul3A = arith.constant 2 : i32
    %mul3A_0 = arith.muli %arg1, %mul3A : i32
    %add3A = arith.addi %mul3A_0, %arg0 : i32
    %mul3A_1 = arith.constant 2048 : i32
    %mul3A_2 = arith.muli %add3A, %mul3A_1 : i32
    %dma_start3A = arith.constant 0 : i32
    %dma_start3A_3 = tpu.memref_slice %arg6[%dma_start3A] : memref<2048xi32, #tpu.memory_space<vmem>> -> memref<1024xi32, #tpu.memory_space<vmem>>
    %dma_start3A_4 = tpu.memref_slice %arg3[%mul3A_2] : memref<65536xi32, #tpu.memory_space<hbm>> -> memref<1024xi32, #tpu.memory_space<hbm>>
    %dma_start3A_5 = arith.constant 0 : i32
    %dma_start3A_6 = tpu.memref_slice %arg6[%dma_start3A_5] : memref<2048xi32, #tpu.memory_space<vmem>> -> memref<1024xi32, #tpu.memory_space<vmem>>
    %dma_start3A_7 = tpu.memref_slice %arg3[%mul3A_2] : memref<65536xi32, #tpu.memory_space<hbm>> -> memref<1024xi32, #tpu.memory_space<hbm>>
    tpu.enqueue_dma source(%dma_start3A_7 : memref<1024xi32, #tpu.memory_space<hbm>>) target(%dma_start3A_6 : memref<1024xi32, #tpu.memory_space<vmem>>) target_semaphore(%arg11 : memref<!tpu.dma_semaphore, #tpu.memory_space<semaphore_mem>>)
    %dma_start3A_8 = arith.constant 0 : i32
    %dma_start3A_9 = tpu.memref_slice %arg7[%dma_start3A_8] : memref<2048xi32, #tpu.memory_space<vmem>> -> memref<1024xi32, #tpu.memory_space<vmem>>
    %dma_start3A_10 = tpu.memref_slice %arg4[%mul3A_2] : memref<65536xi32, #tpu.memory_space<hbm>> -> memref<1024xi32, #tpu.memory_space<hbm>>
    %dma_start3A_11 = arith.constant 0 : i32
    %dma_start3A_12 = tpu.memref_slice %arg7[%dma_start3A_11] : memref<2048xi32, #tpu.memory_space<vmem>> -> memref<1024xi32, #tpu.memory_space<vmem>>
    %dma_start3A_13 = tpu.memref_slice %arg4[%mul3A_2] : memref<65536xi32, #tpu.memory_space<hbm>> -> memref<1024xi32, #tpu.memory_space<hbm>>
    tpu.enqueue_dma source(%dma_start3A_13 : memref<1024xi32, #tpu.memory_space<hbm>>) target(%dma_start3A_12 : memref<1024xi32, #tpu.memory_space<vmem>>) target_semaphore(%arg11 : memref<!tpu.dma_semaphore, #tpu.memory_space<semaphore_mem>>)
    %add3A_14 = arith.constant 1024 : i32
    %add3A_15 = arith.addi %mul3A_2, %add3A_14 : i32
    %dma_start3A_16 = arith.constant 1024 : i32
    %dma_start3A_17 = tpu.memref_slice %arg6[%dma_start3A_16] : memref<2048xi32, #tpu.memory_space<vmem>> -> memref<1024xi32, #tpu.memory_space<vmem>>
    %dma_start3A_18 = tpu.memref_slice %arg3[%add3A_15] : memref<65536xi32, #tpu.memory_space<hbm>> -> memref<1024xi32, #tpu.memory_space<hbm>>
    %dma_start3A_19 = arith.constant 1024 : i32
    %dma_start3A_20 = tpu.memref_slice %arg6[%dma_start3A_19] : memref<2048xi32, #tpu.memory_space<vmem>> -> memref<1024xi32, #tpu.memory_space<vmem>>
    %dma_start3A_21 = tpu.memref_slice %arg3[%add3A_15] : memref<65536xi32, #tpu.memory_space<hbm>> -> memref<1024xi32, #tpu.memory_space<hbm>>
    tpu.enqueue_dma source(%dma_start3A_21 : memref<1024xi32, #tpu.memory_space<hbm>>) target(%dma_start3A_20 : memref<1024xi32, #tpu.memory_space<vmem>>) target_semaphore(%arg11 : memref<!tpu.dma_semaphore, #tpu.memory_space<semaphore_mem>>)
    %add3A_22 = arith.constant 1024 : i32
    %add3A_23 = arith.addi %mul3A_2, %add3A_22 : i32
    %dma_start3A_24 = arith.constant 1024 : i32
    %dma_start3A_25 = tpu.memref_slice %arg7[%dma_start3A_24] : memref<2048xi32, #tpu.memory_space<vmem>> -> memref<1024xi32, #tpu.memory_space<vmem>>
    %dma_start3A_26 = tpu.memref_slice %arg4[%add3A_23] : memref<65536xi32, #tpu.memory_space<hbm>> -> memref<1024xi32, #tpu.memory_space<hbm>>
    %dma_start3A_27 = arith.constant 1024 : i32
    %dma_start3A_28 = tpu.memref_slice %arg7[%dma_start3A_27] : memref<2048xi32, #tpu.memory_space<vmem>> -> memref<1024xi32, #tpu.memory_space<vmem>>
    %dma_start3A_29 = tpu.memref_slice %arg4[%add3A_23] : memref<65536xi32, #tpu.memory_space<hbm>> -> memref<1024xi32, #tpu.memory_space<hbm>>
    tpu.enqueue_dma source(%dma_start3A_29 : memref<1024xi32, #tpu.memory_space<hbm>>) target(%dma_start3A_28 : memref<1024xi32, #tpu.memory_space<vmem>>) target_semaphore(%arg11 : memref<!tpu.dma_semaphore, #tpu.memory_space<semaphore_mem>>)
    %dma_wait3A = arith.constant 0 : i32
    %dma_wait3A_30 = tpu.memref_slice %arg6[%dma_wait3A] : memref<2048xi32, #tpu.memory_space<vmem>> -> memref<1024xi32, #tpu.memory_space<vmem>>
    %dma_wait3A_31 = tpu.memref_slice %arg3[%mul3A_2] : memref<65536xi32, #tpu.memory_space<hbm>> -> memref<1024xi32, #tpu.memory_space<hbm>>
    %dma_wait3A_32 = arith.constant 0 : i32
    %dma_wait3A_33 = tpu.memref_slice %arg6[%dma_wait3A_32] : memref<2048xi32, #tpu.memory_space<vmem>> -> memref<1024xi32, #tpu.memory_space<vmem>>
    %dma_wait3A_34 = tpu.memref_slice %arg3[%mul3A_2] : memref<65536xi32, #tpu.memory_space<hbm>> -> memref<1024xi32, #tpu.memory_space<hbm>>
    tpu.wait_dma2 semaphore(%arg11 : memref<!tpu.dma_semaphore, #tpu.memory_space<semaphore_mem>>) src(%dma_wait3A_34 : memref<1024xi32, #tpu.memory_space<hbm>>) dst(%dma_wait3A_33 : memref<1024xi32, #tpu.memory_space<vmem>>)
    %dma_wait3A_35 = arith.constant 0 : i32
    %dma_wait3A_36 = tpu.memref_slice %arg7[%dma_wait3A_35] : memref<2048xi32, #tpu.memory_space<vmem>> -> memref<1024xi32, #tpu.memory_space<vmem>>
    %dma_wait3A_37 = tpu.memref_slice %arg4[%mul3A_2] : memref<65536xi32, #tpu.memory_space<hbm>> -> memref<1024xi32, #tpu.memory_space<hbm>>
    %dma_wait3A_38 = arith.constant 0 : i32
    %dma_wait3A_39 = tpu.memref_slice %arg7[%dma_wait3A_38] : memref<2048xi32, #tpu.memory_space<vmem>> -> memref<1024xi32, #tpu.memory_space<vmem>>
    %dma_wait3A_40 = tpu.memref_slice %arg4[%mul3A_2] : memref<65536xi32, #tpu.memory_space<hbm>> -> memref<1024xi32, #tpu.memory_space<hbm>>
    tpu.wait_dma2 semaphore(%arg11 : memref<!tpu.dma_semaphore, #tpu.memory_space<semaphore_mem>>) src(%dma_wait3A_40 : memref<1024xi32, #tpu.memory_space<hbm>>) dst(%dma_wait3A_39 : memref<1024xi32, #tpu.memory_space<vmem>>)
    %scan3A = arith.constant 0 : i32
    %scan3A_41 = arith.constant 0 : i32
    %scan3A_42 = arith.constant 8 : i32
    %scan3A_43 = arith.addi %scan3A_41, %scan3A_42 : i32
    %scan3A_44 = arith.constant 1 : i32
    scf.for %scan3A_105 = %scan3A_41 to %scan3A_43 step %scan3A_44  : i32 {
      %mul3A_106 = arith.constant 8 : i32
      %mul3A_107 = arith.muli %scan3A_105, %mul3A_106 : i32
      %add3A_108 = arith.constant 0 : i32
      %add3A_109 = arith.addi %mul3A_107, %add3A_108 : i32
      %mul3A_110 = arith.constant 4 : i32
      %mul3A_111 = arith.muli %add3A, %mul3A_110 : i32
      %jit3A = arith.constant 32 : i32
      %div3A = arith.divsi %add3A_109, %jit3A : i32
      %sign3A = arith.constant 0 : i32
      %sign3A_112 = arith.cmpi sgt, %add3A_109, %sign3A : i32
      %sign3A_113 = arith.extui %sign3A_112 : i1 to i32
      %sign3A_114 = arith.constant 0 : i32
      %sign3A_115 = arith.cmpi slt, %add3A_109, %sign3A_114 : i32
      %sign3A_116 = arith.extui %sign3A_115 : i1 to i32
      %sign3A_117 = arith.subi %sign3A_113, %sign3A_116 : i32
      %sign3A_118 = arith.constant 0 : i32
      %sign3A_119 = arith.cmpi sgt, %jit3A, %sign3A_118 : i32
      %sign3A_120 = arith.extui %sign3A_119 : i1 to i32
      %sign3A_121 = arith.constant 0 : i32
      %sign3A_122 = arith.cmpi slt, %jit3A, %sign3A_121 : i32
      %sign3A_123 = arith.extui %sign3A_122 : i1 to i32
      %sign3A_124 = arith.subi %sign3A_120, %sign3A_123 : i32
      %ne3A = arith.cmpi ne, %sign3A_117, %sign3A_124 : i32
      %rem3A = arith.remsi %add3A_109, %jit3A : i32
      %ne3A_125 = arith.constant 0 : i32
      %ne3A_126 = arith.cmpi ne, %rem3A, %ne3A_125 : i32
      %and3A = arith.andi %ne3A, %ne3A_126 : i1
      %sub3A = arith.constant 1 : i32
      %sub3A_127 = arith.subi %div3A, %sub3A : i32
      %select_n3A = arith.select %and3A, %sub3A_127, %div3A : i32
      %add3A_128 = arith.addi %mul3A_111, %select_n3A : i32
      %mul3A_129 = arith.constant 16 : i32
      %mul3A_130 = arith.muli %add3A_109, %mul3A_129 : i32
      %get3A = arith.index_cast %mul3A_130 : i32 to index
      %get3A_131 = tpu.vector_load %arg6[%get3A] {strides = array<i32>} : memref<2048xi32, #tpu.memory_space<vmem>>, vector<16xi32>,
      %get3A_132 = vector.shape_cast %get3A_131 : vector<16xi32> to vector<16xi32>
      %mul3A_133 = arith.constant 16 : i32
      %mul3A_134 = arith.muli %add3A_109, %mul3A_133 : i32
      %get3A_135 = arith.index_cast %mul3A_134 : i32 to index
      %get3A_136 = tpu.vector_load %arg7[%get3A_135] {strides = array<i32>} : memref<2048xi32, #tpu.memory_space<vmem>>, vector<16xi32>,
      %get3A_137 = vector.shape_cast %get3A_136 : vector<16xi32> to vector<16xi32>
      %shift_right_arithmetic3A = arith.constant 3 : i32
      %shift_right_arithmetic3A_138 = vector.broadcast %shift_right_arithmetic3A : i32 to vector<16xi32>
      %shift_right_arithmetic3A_139 = arith.shrsi %get3A_132, %shift_right_arithmetic3A_138 : vector<16xi32>
      %mul3A_140 = arith.constant 4096 : i32
      %mul3A_141 = vector.broadcast %mul3A_140 : i32 to vector<16xi32>
      %mul3A_142 = arith.muli %shift_right_arithmetic3A_139, %mul3A_141 : vector<16xi32>
      %shift_right_arithmetic3A_143 = arith.constant 7 : i32
      %shift_right_arithmetic3A_144 = vector.broadcast %shift_right_arithmetic3A_143 : i32 to vector<16xi32>
      %shift_right_arithmetic3A_145 = arith.shrsi %get3A_137, %shift_right_arithmetic3A_144 : vector<16xi32>
      %mul3A_146 = arith.constant 1024 : i32
      %mul3A_147 = vector.broadcast %mul3A_146 : i32 to vector<16xi32>
      %mul3A_148 = arith.muli %shift_right_arithmetic3A_145, %mul3A_147 : vector<16xi32>
      %add3A_149 = arith.addi %mul3A_142, %mul3A_148 : vector<16xi32>
      %and3A_150 = arith.constant 7 : i32
      %and3A_151 = vector.broadcast %and3A_150 : i32 to vector<16xi32>
      %and3A_152 = arith.andi %get3A_132, %and3A_151 : vector<16xi32>
      %mul3A_153 = arith.constant 128 : i32
      %mul3A_154 = vector.broadcast %mul3A_153 : i32 to vector<16xi32>
      %mul3A_155 = arith.muli %and3A_152, %mul3A_154 : vector<16xi32>
      %add3A_156 = arith.addi %add3A_149, %mul3A_155 : vector<16xi32>
      %and3A_157 = arith.constant 127 : i32
      %and3A_158 = vector.broadcast %and3A_157 : i32 to vector<16xi32>
      %and3A_159 = arith.andi %get3A_137, %and3A_158 : vector<16xi32>
      %add3A_160 = arith.addi %add3A_156, %and3A_159 : vector<16xi32>
      %mul3A_161 = arith.constant 262144 : i32
      %mul3A_162 = arith.muli %add3A_128, %mul3A_161 : i32
      %add3A_163 = vector.broadcast %mul3A_162 : i32 to vector<16xi32>
      %add3A_164 = arith.addi %add3A_160, %add3A_163 : vector<16xi32>
      %swap3A_165 = arith.index_cast %scan3A_105 : i32 to index
      %swap3A_166 = arith.constant 0 : index
      %swap3A_167 = tpu.vector_load %arg8[%swap3A_165, %swap3A_166] {strides = array<i32>} : memref<16x128xi32, #tpu.memory_space<vmem>>, vector<1x16xi32>,
      %swap3A_168 = vector.shape_cast %swap3A_167 : vector<1x16xi32> to vector<16xi32>
      %swap3A_169 = vector.shape_cast %add3A_164 : vector<16xi32> to vector<1x16xi32>
      tpu.vector_store %arg8[%swap3A_165, %swap3A_166], %swap3A_169 {strides = array<i32>} : memref<16x128xi32, #tpu.memory_space<vmem>>, vector<1x16xi32>,
      %mul3A_170 = arith.constant 8 : i32
      %mul3A_171 = arith.muli %scan3A_105, %mul3A_170 : i32
      %add3A_172 = arith.constant 1 : i32
      %add3A_173 = arith.addi %mul3A_171, %add3A_172 : i32
      %mul3A_174 = arith.constant 4 : i32
      %mul3A_175 = arith.muli %add3A, %mul3A_174 : i32
      %jit3A_176 = arith.constant 32 : i32
      %div3A_177 = arith.divsi %add3A_173, %jit3A_176 : i32
      %sign3A_178 = arith.constant 0 : i32
      %sign3A_179 = arith.cmpi sgt, %add3A_173, %sign3A_178 : i32
      %sign3A_180 = arith.extui %sign3A_179 : i1 to i32
      %sign3A_181 = arith.constant 0 : i32
      %sign3A_182 = arith.cmpi slt, %add3A_173, %sign3A_181 : i32
      %sign3A_183 = arith.extui %sign3A_182 : i1 to i32
      %sign3A_184 = arith.subi %sign3A_180, %sign3A_183 : i32
      %sign3A_185 = arith.constant 0 : i32
      %sign3A_186 = arith.cmpi sgt, %jit3A_176, %sign3A_185 : i32
      %sign3A_187 = arith.extui %sign3A_186 : i1 to i32
      %sign3A_188 = arith.constant 0 : i32
      %sign3A_189 = arith.cmpi slt, %jit3A_176, %sign3A_188 : i32
      %sign3A_190 = arith.extui %sign3A_189 : i1 to i32
      %sign3A_191 = arith.subi %sign3A_187, %sign3A_190 : i32
      %ne3A_192 = arith.cmpi ne, %sign3A_184, %sign3A_191 : i32
      %rem3A_193 = arith.remsi %add3A_173, %jit3A_176 : i32
      %ne3A_194 = arith.constant 0 : i32
      %ne3A_195 = arith.cmpi ne, %rem3A_193, %ne3A_194 : i32
      %and3A_196 = arith.andi %ne3A_192, %ne3A_195 : i1
      %sub3A_197 = arith.constant 1 : i32
      %sub3A_198 = arith.subi %div3A_177, %sub3A_197 : i32
      %select_n3A_199 = arith.select %and3A_196, %sub3A_198, %div3A_177 : i32
      %add3A_200 = arith.addi %mul3A_175, %select_n3A_199 : i32
      %mul3A_201 = arith.constant 16 : i32
      %mul3A_202 = arith.muli %add3A_173, %mul3A_201 : i32
      %get3A_203 = arith.index_cast %mul3A_202 : i32 to index
      %get3A_204 = tpu.vector_load %arg6[%get3A_203] {strides = array<i32>} : memref<2048xi32, #tpu.memory_space<vmem>>, vector<16xi32>,
      %get3A_205 = vector.shape_cast %get3A_204 : vector<16xi32> to vector<16xi32>
      %mul3A_206 = arith.constant 16 : i32
      %mul3A_207 = arith.muli %add3A_173, %mul3A_206 : i32
      %get3A_208 = arith.index_cast %mul3A_207 : i32 to index
      %get3A_209 = tpu.vector_load %arg7[%get3A_208] {strides = array<i32>} : memref<2048xi32, #tpu.memory_space<vmem>>, vector<16xi32>,
      %get3A_210 = vector.shape_cast %get3A_209 : vector<16xi32> to vector<16xi32>
      %shift_right_arithmetic3A_211 = arith.constant 3 : i32
      %shift_right_arithmetic3A_212 = vector.broadcast %shift_right_arithmetic3A_211 : i32 to vector<16xi32>
      %shift_right_arithmetic3A_213 = arith.shrsi %get3A_205, %shift_right_arithmetic3A_212 : vector<16xi32>
      %mul3A_214 = arith.constant 4096 : i32
      %mul3A_215 = vector.broadcast %mul3A_214 : i32 to vector<16xi32>
      %mul3A_216 = arith.muli %shift_right_arithmetic3A_213, %mul3A_215 : vector<16xi32>
      %shift_right_arithmetic3A_217 = arith.constant 7 : i32
      %shift_right_arithmetic3A_218 = vector.broadcast %shift_right_arithmetic3A_217 : i32 to vector<16xi32>
      %shift_right_arithmetic3A_219 = arith.shrsi %get3A_210, %shift_right_arithmetic3A_218 : vector<16xi32>
      %mul3A_220 = arith.constant 1024 : i32
      %mul3A_221 = vector.broadcast %mul3A_220 : i32 to vector<16xi32>
      %mul3A_222 = arith.muli %shift_right_arithmetic3A_219, %mul3A_221 : vector<16xi32>
      %add3A_223 = arith.addi %mul3A_216, %mul3A_222 : vector<16xi32>
      %and3A_224 = arith.constant 7 : i32
      %and3A_225 = vector.broadcast %and3A_224 : i32 to vector<16xi32>
      %and3A_226 = arith.andi %get3A_205, %and3A_225 : vector<16xi32>
      %mul3A_227 = arith.constant 128 : i32
      %mul3A_228 = vector.broadcast %mul3A_227 : i32 to vector<16xi32>
      %mul3A_229 = arith.muli %and3A_226, %mul3A_228 : vector<16xi32>
      %add3A_230 = arith.addi %add3A_223, %mul3A_229 : vector<16xi32>
      %and3A_231 = arith.constant 127 : i32
      %and3A_232 = vector.broadcast %and3A_231 : i32 to vector<16xi32>
      %and3A_233 = arith.andi %get3A_210, %and3A_232 : vector<16xi32>
      %add3A_234 = arith.addi %add3A_230, %and3A_233 : vector<16xi32>
      %mul3A_235 = arith.constant 262144 : i32
      %mul3A_236 = arith.muli %add3A_200, %mul3A_235 : i32
      %add3A_237 = vector.broadcast %mul3A_236 : i32 to vector<16xi32>
      %add3A_238 = arith.addi %add3A_234, %add3A_237 : vector<16xi32>
      %swap3A_239 = arith.index_cast %scan3A_105 : i32 to index
      %swap3A_240 = arith.constant 16 : index
      %swap3A_241 = tpu.vector_load %arg8[%swap3A_239, %swap3A_240] {strides = array<i32>} : memref<16x128xi32, #tpu.memory_space<vmem>>, vector<1x16xi32>,
      %swap3A_242 = vector.shape_cast %swap3A_241 : vector<1x16xi32> to vector<16xi32>
      %swap3A_243 = vector.shape_cast %add3A_238 : vector<16xi32> to vector<1x16xi32>
      tpu.vector_store %arg8[%swap3A_239, %swap3A_240], %swap3A_243 {strides = array<i32>} : memref<16x128xi32, #tpu.memory_space<vmem>>, vector<1x16xi32>,
      %mul3A_244 = arith.constant 8 : i32
      %mul3A_245 = arith.muli %scan3A_105, %mul3A_244 : i32
      %add3A_246 = arith.constant 2 : i32
      %add3A_247 = arith.addi %mul3A_245, %add3A_246 : i32
      %mul3A_248 = arith.constant 4 : i32
      %mul3A_249 = arith.muli %add3A, %mul3A_248 : i32
      %jit3A_250 = arith.constant 32 : i32
      %div3A_251 = arith.divsi %add3A_247, %jit3A_250 : i32
      %sign3A_252 = arith.constant 0 : i32
      %sign3A_253 = arith.cmpi sgt, %add3A_247, %sign3A_252 : i32
      %sign3A_254 = arith.extui %sign3A_253 : i1 to i32
      %sign3A_255 = arith.constant 0 : i32
      %sign3A_256 = arith.cmpi slt, %add3A_247, %sign3A_255 : i32
      %sign3A_257 = arith.extui %sign3A_256 : i1 to i32
      %sign3A_258 = arith.subi %sign3A_254, %sign3A_257 : i32
      %sign3A_259 = arith.constant 0 : i32
      %sign3A_260 = arith.cmpi sgt, %jit3A_250, %sign3A_259 : i32
      %sign3A_261 = arith.extui %sign3A_260 : i1 to i32
      %sign3A_262 = arith.constant 0 : i32
      %sign3A_263 = arith.cmpi slt, %jit3A_250, %sign3A_262 : i32
      %sign3A_264 = arith.extui %sign3A_263 : i1 to i32
      %sign3A_265 = arith.subi %sign3A_261, %sign3A_264 : i32
      %ne3A_266 = arith.cmpi ne, %sign3A_258, %sign3A_265 : i32
      %rem3A_267 = arith.remsi %add3A_247, %jit3A_250 : i32
      %ne3A_268 = arith.constant 0 : i32
      %ne3A_269 = arith.cmpi ne, %rem3A_267, %ne3A_268 : i32
      %and3A_270 = arith.andi %ne3A_266, %ne3A_269 : i1
      %sub3A_271 = arith.constant 1 : i32
      %sub3A_272 = arith.subi %div3A_251, %sub3A_271 : i32
      %select_n3A_273 = arith.select %and3A_270, %sub3A_272, %div3A_251 : i32
      %add3A_274 = arith.addi %mul3A_249, %select_n3A_273 : i32
      %mul3A_275 = arith.constant 16 : i32
      %mul3A_276 = arith.muli %add3A_247, %mul3A_275 : i32
      %get3A_277 = arith.index_cast %mul3A_276 : i32 to index
      %get3A_278 = tpu.vector_load %arg6[%get3A_277] {strides = array<i32>} : memref<2048xi32, #tpu.memory_space<vmem>>, vector<16xi32>,
      %get3A_279 = vector.shape_cast %get3A_278 : vector<16xi32> to vector<16xi32>
      %mul3A_280 = arith.constant 16 : i32
      %mul3A_281 = arith.muli %add3A_247, %mul3A_280 : i32
      %get3A_282 = arith.index_cast %mul3A_281 : i32 to index
      %get3A_283 = tpu.vector_load %arg7[%get3A_282] {strides = array<i32>} : memref<2048xi32, #tpu.memory_space<vmem>>, vector<16xi32>,
      %get3A_284 = vector.shape_cast %get3A_283 : vector<16xi32> to vector<16xi32>
      %shift_right_arithmetic3A_285 = arith.constant 3 : i32
      %shift_right_arithmetic3A_286 = vector.broadcast %shift_right_arithmetic3A_285 : i32 to vector<16xi32>
      %shift_right_arithmetic3A_287 = arith.shrsi %get3A_279, %shift_right_arithmetic3A_286 : vector<16xi32>
      %mul3A_288 = arith.constant 4096 : i32
      %mul3A_289 = vector.broadcast %mul3A_288 : i32 to vector<16xi32>
      %mul3A_290 = arith.muli %shift_right_arithmetic3A_287, %mul3A_289 : vector<16xi32>
      %shift_right_arithmetic3A_291 = arith.constant 7 : i32
      %shift_right_arithmetic3A_292 = vector.broadcast %shift_right_arithmetic3A_291 : i32 to vector<16xi32>
      %shift_right_arithmetic3A_293 = arith.shrsi %get3A_284, %shift_right_arithmetic3A_292 : vector<16xi32>
      %mul3A_294 = arith.constant 1024 : i32
      %mul3A_295 = vector.broadcast %mul3A_294 : i32 to vector<16xi32>
      %mul3A_296 = arith.muli %shift_right_arithmetic3A_293, %mul3A_295 : vector<16xi32>
      %add3A_297 = arith.addi %mul3A_290, %mul3A_296 : vector<16xi32>
      %and3A_298 = arith.constant 7 : i32
      %and3A_299 = vector.broadcast %and3A_298 : i32 to vector<16xi32>
      %and3A_300 = arith.andi %get3A_279, %and3A_299 : vector<16xi32>
      %mul3A_301 = arith.constant 128 : i32
      %mul3A_302 = vector.broadcast %mul3A_301 : i32 to vector<16xi32>
      %mul3A_303 = arith.muli %and3A_300, %mul3A_302 : vector<16xi32>
      %add3A_304 = arith.addi %add3A_297, %mul3A_303 : vector<16xi32>
      %and3A_305 = arith.constant 127 : i32
      %and3A_306 = vector.broadcast %and3A_305 : i32 to vector<16xi32>
      %and3A_307 = arith.andi %get3A_284, %and3A_306 : vector<16xi32>
      %add3A_308 = arith.addi %add3A_304, %and3A_307 : vector<16xi32>
      %mul3A_309 = arith.constant 262144 : i32
      %mul3A_310 = arith.muli %add3A_274, %mul3A_309 : i32
      %add3A_311 = vector.broadcast %mul3A_310 : i32 to vector<16xi32>
      %add3A_312 = arith.addi %add3A_308, %add3A_311 : vector<16xi32>
      %swap3A_313 = arith.index_cast %scan3A_105 : i32 to index
      %swap3A_314 = arith.constant 32 : index
      %swap3A_315 = tpu.vector_load %arg8[%swap3A_313, %swap3A_314] {strides = array<i32>} : memref<16x128xi32, #tpu.memory_space<vmem>>, vector<1x16xi32>,
      %swap3A_316 = vector.shape_cast %swap3A_315 : vector<1x16xi32> to vector<16xi32>
      %swap3A_317 = vector.shape_cast %add3A_312 : vector<16xi32> to vector<1x16xi32>
      tpu.vector_store %arg8[%swap3A_313, %swap3A_314], %swap3A_317 {strides = array<i32>} : memref<16x128xi32, #tpu.memory_space<vmem>>, vector<1x16xi32>,
      %mul3A_318 = arith.constant 8 : i32
      %mul3A_319 = arith.muli %scan3A_105, %mul3A_318 : i32
      %add3A_320 = arith.constant 3 : i32
      %add3A_321 = arith.addi %mul3A_319, %add3A_320 : i32
      %mul3A_322 = arith.constant 4 : i32
      %mul3A_323 = arith.muli %add3A, %mul3A_322 : i32
      %jit3A_324 = arith.constant 32 : i32
      %div3A_325 = arith.divsi %add3A_321, %jit3A_324 : i32
      %sign3A_326 = arith.constant 0 : i32
      %sign3A_327 = arith.cmpi sgt, %add3A_321, %sign3A_326 : i32
      %sign3A_328 = arith.extui %sign3A_327 : i1 to i32
      %sign3A_329 = arith.constant 0 : i32
      %sign3A_330 = arith.cmpi slt, %add3A_321, %sign3A_329 : i32
      %sign3A_331 = arith.extui %sign3A_330 : i1 to i32
      %sign3A_332 = arith.subi %sign3A_328, %sign3A_331 : i32
      %sign3A_333 = arith.constant 0 : i32
      %sign3A_334 = arith.cmpi sgt, %jit3A_324, %sign3A_333 : i32
      %sign3A_335 = arith.extui %sign3A_334 : i1 to i32
      %sign3A_336 = arith.constant 0 : i32
      %sign3A_337 = arith.cmpi slt, %jit3A_324, %sign3A_336 : i32
      %sign3A_338 = arith.extui %sign3A_337 : i1 to i32
      %sign3A_339 = arith.subi %sign3A_335, %sign3A_338 : i32
      %ne3A_340 = arith.cmpi ne, %sign3A_332, %sign3A_339 : i32
      %rem3A_341 = arith.remsi %add3A_321, %jit3A_324 : i32
      %ne3A_342 = arith.constant 0 : i32
      %ne3A_343 = arith.cmpi ne, %rem3A_341, %ne3A_342 : i32
      %and3A_344 = arith.andi %ne3A_340, %ne3A_343 : i1
      %sub3A_345 = arith.constant 1 : i32
      %sub3A_346 = arith.subi %div3A_325, %sub3A_345 : i32
      %select_n3A_347 = arith.select %and3A_344, %sub3A_346, %div3A_325 : i32
      %add3A_348 = arith.addi %mul3A_323, %select_n3A_347 : i32
      %mul3A_349 = arith.constant 16 : i32
      %mul3A_350 = arith.muli %add3A_321, %mul3A_349 : i32
      %get3A_351 = arith.index_cast %mul3A_350 : i32 to index
      %get3A_352 = tpu.vector_load %arg6[%get3A_351] {strides = array<i32>} : memref<2048xi32, #tpu.memory_space<vmem>>, vector<16xi32>,
      %get3A_353 = vector.shape_cast %get3A_352 : vector<16xi32> to vector<16xi32>
      %mul3A_354 = arith.constant 16 : i32
      %mul3A_355 = arith.muli %add3A_321, %mul3A_354 : i32
      %get3A_356 = arith.index_cast %mul3A_355 : i32 to index
      %get3A_357 = tpu.vector_load %arg7[%get3A_356] {strides = array<i32>} : memref<2048xi32, #tpu.memory_space<vmem>>, vector<16xi32>,
      %get3A_358 = vector.shape_cast %get3A_357 : vector<16xi32> to vector<16xi32>
      %shift_right_arithmetic3A_359 = arith.constant 3 : i32
      %shift_right_arithmetic3A_360 = vector.broadcast %shift_right_arithmetic3A_359 : i32 to vector<16xi32>
      %shift_right_arithmetic3A_361 = arith.shrsi %get3A_353, %shift_right_arithmetic3A_360 : vector<16xi32>
      %mul3A_362 = arith.constant 4096 : i32
      %mul3A_363 = vector.broadcast %mul3A_362 : i32 to vector<16xi32>
      %mul3A_364 = arith.muli %shift_right_arithmetic3A_361, %mul3A_363 : vector<16xi32>
      %shift_right_arithmetic3A_365 = arith.constant 7 : i32
      %shift_right_arithmetic3A_366 = vector.broadcast %shift_right_arithmetic3A_365 : i32 to vector<16xi32>
      %shift_right_arithmetic3A_367 = arith.shrsi %get3A_358, %shift_right_arithmetic3A_366 : vector<16xi32>
      %mul3A_368 = arith.constant 1024 : i32
      %mul3A_369 = vector.broadcast %mul3A_368 : i32 to vector<16xi32>
      %mul3A_370 = arith.muli %shift_right_arithmetic3A_367, %mul3A_369 : vector<16xi32>
      %add3A_371 = arith.addi %mul3A_364, %mul3A_370 : vector<16xi32>
      %and3A_372 = arith.constant 7 : i32
      %and3A_373 = vector.broadcast %and3A_372 : i32 to vector<16xi32>
      %and3A_374 = arith.andi %get3A_353, %and3A_373 : vector<16xi32>
      %mul3A_375 = arith.constant 128 : i32
      %mul3A_376 = vector.broadcast %mul3A_375 : i32 to vector<16xi32>
      %mul3A_377 = arith.muli %and3A_374, %mul3A_376 : vector<16xi32>
      %add3A_378 = arith.addi %add3A_371, %mul3A_377 : vector<16xi32>
      %and3A_379 = arith.constant 127 : i32
      %and3A_380 = vector.broadcast %and3A_379 : i32 to vector<16xi32>
      %and3A_381 = arith.andi %get3A_358, %and3A_380 : vector<16xi32>
      %add3A_382 = arith.addi %add3A_378, %and3A_381 : vector<16xi32>
      %mul3A_383 = arith.constant 262144 : i32
      %mul3A_384 = arith.muli %add3A_348, %mul3A_383 : i32
      %add3A_385 = vector.broadcast %mul3A_384 : i32 to vector<16xi32>
      %add3A_386 = arith.addi %add3A_382, %add3A_385 : vector<16xi32>
      %swap3A_387 = arith.index_cast %scan3A_105 : i32 to index
      %swap3A_388 = arith.constant 48 : index
      %swap3A_389 = tpu.vector_load %arg8[%swap3A_387, %swap3A_388] {strides = array<i32>} : memref<16x128xi32, #tpu.memory_space<vmem>>, vector<1x16xi32>,
      %swap3A_390 = vector.shape_cast %swap3A_389 : vector<1x16xi32> to vector<16xi32>
      %swap3A_391 = vector.shape_cast %add3A_386 : vector<16xi32> to vector<1x16xi32>
      tpu.vector_store %arg8[%swap3A_387, %swap3A_388], %swap3A_391 {strides = array<i32>} : memref<16x128xi32, #tpu.memory_space<vmem>>, vector<1x16xi32>,
      %mul3A_392 = arith.constant 8 : i32
      %mul3A_393 = arith.muli %scan3A_105, %mul3A_392 : i32
      %add3A_394 = arith.constant 4 : i32
      %add3A_395 = arith.addi %mul3A_393, %add3A_394 : i32
      %mul3A_396 = arith.constant 4 : i32
      %mul3A_397 = arith.muli %add3A, %mul3A_396 : i32
      %jit3A_398 = arith.constant 32 : i32
      %div3A_399 = arith.divsi %add3A_395, %jit3A_398 : i32
      %sign3A_400 = arith.constant 0 : i32
      %sign3A_401 = arith.cmpi sgt, %add3A_395, %sign3A_400 : i32
      %sign3A_402 = arith.extui %sign3A_401 : i1 to i32
      %sign3A_403 = arith.constant 0 : i32
      %sign3A_404 = arith.cmpi slt, %add3A_395, %sign3A_403 : i32
      %sign3A_405 = arith.extui %sign3A_404 : i1 to i32
      %sign3A_406 = arith.subi %sign3A_402, %sign3A_405 : i32
      %sign3A_407 = arith.constant 0 : i32
      %sign3A_408 = arith.cmpi sgt, %jit3A_398, %sign3A_407 : i32
      %sign3A_409 = arith.extui %sign3A_408 : i1 to i32
      %sign3A_410 = arith.constant 0 : i32
      %sign3A_411 = arith.cmpi slt, %jit3A_398, %sign3A_410 : i32
      %sign3A_412 = arith.extui %sign3A_411 : i1 to i32
      %sign3A_413 = arith.subi %sign3A_409, %sign3A_412 : i32
      %ne3A_414 = arith.cmpi ne, %sign3A_406, %sign3A_413 : i32
      %rem3A_415 = arith.remsi %add3A_395, %jit3A_398 : i32
      %ne3A_416 = arith.constant 0 : i32
      %ne3A_417 = arith.cmpi ne, %rem3A_415, %ne3A_416 : i32
      %and3A_418 = arith.andi %ne3A_414, %ne3A_417 : i1
      %sub3A_419 = arith.constant 1 : i32
      %sub3A_420 = arith.subi %div3A_399, %sub3A_419 : i32
      %select_n3A_421 = arith.select %and3A_418, %sub3A_420, %div3A_399 : i32
      %add3A_422 = arith.addi %mul3A_397, %select_n3A_421 : i32
      %mul3A_423 = arith.constant 16 : i32
      %mul3A_424 = arith.muli %add3A_395, %mul3A_423 : i32
      %get3A_425 = arith.index_cast %mul3A_424 : i32 to index
      %get3A_426 = tpu.vector_load %arg6[%get3A_425] {strides = array<i32>} : memref<2048xi32, #tpu.memory_space<vmem>>, vector<16xi32>,
      %get3A_427 = vector.shape_cast %get3A_426 : vector<16xi32> to vector<16xi32>
      %mul3A_428 = arith.constant 16 : i32
      %mul3A_429 = arith.muli %add3A_395, %mul3A_428 : i32
      %get3A_430 = arith.index_cast %mul3A_429 : i32 to index
      %get3A_431 = tpu.vector_load %arg7[%get3A_430] {strides = array<i32>} : memref<2048xi32, #tpu.memory_space<vmem>>, vector<16xi32>,
      %get3A_432 = vector.shape_cast %get3A_431 : vector<16xi32> to vector<16xi32>
      %shift_right_arithmetic3A_433 = arith.constant 3 : i32
      %shift_right_arithmetic3A_434 = vector.broadcast %shift_right_arithmetic3A_433 : i32 to vector<16xi32>
      %shift_right_arithmetic3A_435 = arith.shrsi %get3A_427, %shift_right_arithmetic3A_434 : vector<16xi32>
      %mul3A_436 = arith.constant 4096 : i32
      %mul3A_437 = vector.broadcast %mul3A_436 : i32 to vector<16xi32>
      %mul3A_438 = arith.muli %shift_right_arithmetic3A_435, %mul3A_437 : vector<16xi32>
      %shift_right_arithmetic3A_439 = arith.constant 7 : i32
      %shift_right_arithmetic3A_440 = vector.broadcast %shift_right_arithmetic3A_439 : i32 to vector<16xi32>
      %shift_right_arithmetic3A_441 = arith.shrsi %get3A_432, %shift_right_arithmetic3A_440 : vector<16xi32>
      %mul3A_442 = arith.constant 1024 : i32
      %mul3A_443 = vector.broadcast %mul3A_442 : i32 to vector<16xi32>
      %mul3A_444 = arith.muli %shift_right_arithmetic3A_441, %mul3A_443 : vector<16xi32>
      %add3A_445 = arith.addi %mul3A_438, %mul3A_444 : vector<16xi32>
      %and3A_446 = arith.constant 7 : i32
      %and3A_447 = vector.broadcast %and3A_446 : i32 to vector<16xi32>
      %and3A_448 = arith.andi %get3A_427, %and3A_447 : vector<16xi32>
      %mul3A_449 = arith.constant 128 : i32
      %mul3A_450 = vector.broadcast %mul3A_449 : i32 to vector<16xi32>
      %mul3A_451 = arith.muli %and3A_448, %mul3A_450 : vector<16xi32>
      %add3A_452 = arith.addi %add3A_445, %mul3A_451 : vector<16xi32>
      %and3A_453 = arith.constant 127 : i32
      %and3A_454 = vector.broadcast %and3A_453 : i32 to vector<16xi32>
      %and3A_455 = arith.andi %get3A_432, %and3A_454 : vector<16xi32>
      %add3A_456 = arith.addi %add3A_452, %and3A_455 : vector<16xi32>
      %mul3A_457 = arith.constant 262144 : i32
      %mul3A_458 = arith.muli %add3A_422, %mul3A_457 : i32
      %add3A_459 = vector.broadcast %mul3A_458 : i32 to vector<16xi32>
      %add3A_460 = arith.addi %add3A_456, %add3A_459 : vector<16xi32>
      %swap3A_461 = arith.index_cast %scan3A_105 : i32 to index
      %swap3A_462 = arith.constant 64 : index
      %swap3A_463 = tpu.vector_load %arg8[%swap3A_461, %swap3A_462] {strides = array<i32>} : memref<16x128xi32, #tpu.memory_space<vmem>>, vector<1x16xi32>,
      %swap3A_464 = vector.shape_cast %swap3A_463 : vector<1x16xi32> to vector<16xi32>
      %swap3A_465 = vector.shape_cast %add3A_460 : vector<16xi32> to vector<1x16xi32>
      tpu.vector_store %arg8[%swap3A_461, %swap3A_462], %swap3A_465 {strides = array<i32>} : memref<16x128xi32, #tpu.memory_space<vmem>>, vector<1x16xi32>,
      %mul3A_466 = arith.constant 8 : i32
      %mul3A_467 = arith.muli %scan3A_105, %mul3A_466 : i32
      %add3A_468 = arith.constant 5 : i32
      %add3A_469 = arith.addi %mul3A_467, %add3A_468 : i32
      %mul3A_470 = arith.constant 4 : i32
      %mul3A_471 = arith.muli %add3A, %mul3A_470 : i32
      %jit3A_472 = arith.constant 32 : i32
      %div3A_473 = arith.divsi %add3A_469, %jit3A_472 : i32
      %sign3A_474 = arith.constant 0 : i32
      %sign3A_475 = arith.cmpi sgt, %add3A_469, %sign3A_474 : i32
      %sign3A_476 = arith.extui %sign3A_475 : i1 to i32
      %sign3A_477 = arith.constant 0 : i32
      %sign3A_478 = arith.cmpi slt, %add3A_469, %sign3A_477 : i32
      %sign3A_479 = arith.extui %sign3A_478 : i1 to i32
      %sign3A_480 = arith.subi %sign3A_476, %sign3A_479 : i32
      %sign3A_481 = arith.constant 0 : i32
      %sign3A_482 = arith.cmpi sgt, %jit3A_472, %sign3A_481 : i32
      %sign3A_483 = arith.extui %sign3A_482 : i1 to i32
      %sign3A_484 = arith.constant 0 : i32
      %sign3A_485 = arith.cmpi slt, %jit3A_472, %sign3A_484 : i32
      %sign3A_486 = arith.extui %sign3A_485 : i1 to i32
      %sign3A_487 = arith.subi %sign3A_483, %sign3A_486 : i32
      %ne3A_488 = arith.cmpi ne, %sign3A_480, %sign3A_487 : i32
      %rem3A_489 = arith.remsi %add3A_469, %jit3A_472 : i32
      %ne3A_490 = arith.constant 0 : i32
      %ne3A_491 = arith.cmpi ne, %rem3A_489, %ne3A_490 : i32
      %and3A_492 = arith.andi %ne3A_488, %ne3A_491 : i1
      %sub3A_493 = arith.constant 1 : i32
      %sub3A_494 = arith.subi %div3A_473, %sub3A_493 : i32
      %select_n3A_495 = arith.select %and3A_492, %sub3A_494, %div3A_473 : i32
      %add3A_496 = arith.addi %mul3A_471, %select_n3A_495 : i32
      %mul3A_497 = arith.constant 16 : i32
      %mul3A_498 = arith.muli %add3A_469, %mul3A_497 : i32
      %get3A_499 = arith.index_cast %mul3A_498 : i32 to index
      %get3A_500 = tpu.vector_load %arg6[%get3A_499] {strides = array<i32>} : memref<2048xi32, #tpu.memory_space<vmem>>, vector<16xi32>,
      %get3A_501 = vector.shape_cast %get3A_500 : vector<16xi32> to vector<16xi32>
      %mul3A_502 = arith.constant 16 : i32
      %mul3A_503 = arith.muli %add3A_469, %mul3A_502 : i32
      %get3A_504 = arith.index_cast %mul3A_503 : i32 to index
      %get3A_505 = tpu.vector_load %arg7[%get3A_504] {strides = array<i32>} : memref<2048xi32, #tpu.memory_space<vmem>>, vector<16xi32>,
      %get3A_506 = vector.shape_cast %get3A_505 : vector<16xi32> to vector<16xi32>
      %shift_right_arithmetic3A_507 = arith.constant 3 : i32
      %shift_right_arithmetic3A_508 = vector.broadcast %shift_right_arithmetic3A_507 : i32 to vector<16xi32>
      %shift_right_arithmetic3A_509 = arith.shrsi %get3A_501, %shift_right_arithmetic3A_508 : vector<16xi32>
      %mul3A_510 = arith.constant 4096 : i32
      %mul3A_511 = vector.broadcast %mul3A_510 : i32 to vector<16xi32>
      %mul3A_512 = arith.muli %shift_right_arithmetic3A_509, %mul3A_511 : vector<16xi32>
      %shift_right_arithmetic3A_513 = arith.constant 7 : i32
      %shift_right_arithmetic3A_514 = vector.broadcast %shift_right_arithmetic3A_513 : i32 to vector<16xi32>
      %shift_right_arithmetic3A_515 = arith.shrsi %get3A_506, %shift_right_arithmetic3A_514 : vector<16xi32>
      %mul3A_516 = arith.constant 1024 : i32
      %mul3A_517 = vector.broadcast %mul3A_516 : i32 to vector<16xi32>
      %mul3A_518 = arith.muli %shift_right_arithmetic3A_515, %mul3A_517 : vector<16xi32>
      %add3A_519 = arith.addi %mul3A_512, %mul3A_518 : vector<16xi32>
      %and3A_520 = arith.constant 7 : i32
      %and3A_521 = vector.broadcast %and3A_520 : i32 to vector<16xi32>
      %and3A_522 = arith.andi %get3A_501, %and3A_521 : vector<16xi32>
      %mul3A_523 = arith.constant 128 : i32
      %mul3A_524 = vector.broadcast %mul3A_523 : i32 to vector<16xi32>
      %mul3A_525 = arith.muli %and3A_522, %mul3A_524 : vector<16xi32>
      %add3A_526 = arith.addi %add3A_519, %mul3A_525 : vector<16xi32>
      %and3A_527 = arith.constant 127 : i32
      %and3A_528 = vector.broadcast %and3A_527 : i32 to vector<16xi32>
      %and3A_529 = arith.andi %get3A_506, %and3A_528 : vector<16xi32>
      %add3A_530 = arith.addi %add3A_526, %and3A_529 : vector<16xi32>
      %mul3A_531 = arith.constant 262144 : i32
      %mul3A_532 = arith.muli %add3A_496, %mul3A_531 : i32
      %add3A_533 = vector.broadcast %mul3A_532 : i32 to vector<16xi32>
      %add3A_534 = arith.addi %add3A_530, %add3A_533 : vector<16xi32>
      %swap3A_535 = arith.index_cast %scan3A_105 : i32 to index
      %swap3A_536 = arith.constant 80 : index
      %swap3A_537 = tpu.vector_load %arg8[%swap3A_535, %swap3A_536] {strides = array<i32>} : memref<16x128xi32, #tpu.memory_space<vmem>>, vector<1x16xi32>,
      %swap3A_538 = vector.shape_cast %swap3A_537 : vector<1x16xi32> to vector<16xi32>
      %swap3A_539 = vector.shape_cast %add3A_534 : vector<16xi32> to vector<1x16xi32>
      tpu.vector_store %arg8[%swap3A_535, %swap3A_536], %swap3A_539 {strides = array<i32>} : memref<16x128xi32, #tpu.memory_space<vmem>>, vector<1x16xi32>,
      %mul3A_540 = arith.constant 8 : i32
      %mul3A_541 = arith.muli %scan3A_105, %mul3A_540 : i32
      %add3A_542 = arith.constant 6 : i32
      %add3A_543 = arith.addi %mul3A_541, %add3A_542 : i32
      %mul3A_544 = arith.constant 4 : i32
      %mul3A_545 = arith.muli %add3A, %mul3A_544 : i32
      %jit3A_546 = arith.constant 32 : i32
      %div3A_547 = arith.divsi %add3A_543, %jit3A_546 : i32
      %sign3A_548 = arith.constant 0 : i32
      %sign3A_549 = arith.cmpi sgt, %add3A_543, %sign3A_548 : i32
      %sign3A_550 = arith.extui %sign3A_549 : i1 to i32
      %sign3A_551 = arith.constant 0 : i32
      %sign3A_552 = arith.cmpi slt, %add3A_543, %sign3A_551 : i32
      %sign3A_553 = arith.extui %sign3A_552 : i1 to i32
      %sign3A_554 = arith.subi %sign3A_550, %sign3A_553 : i32
      %sign3A_555 = arith.constant 0 : i32
      %sign3A_556 = arith.cmpi sgt, %jit3A_546, %sign3A_555 : i32
      %sign3A_557 = arith.extui %sign3A_556 : i1 to i32
      %sign3A_558 = arith.constant 0 : i32
      %sign3A_559 = arith.cmpi slt, %jit3A_546, %sign3A_558 : i32
      %sign3A_560 = arith.extui %sign3A_559 : i1 to i32
      %sign3A_561 = arith.subi %sign3A_557, %sign3A_560 : i32
      %ne3A_562 = arith.cmpi ne, %sign3A_554, %sign3A_561 : i32
      %rem3A_563 = arith.remsi %add3A_543, %jit3A_546 : i32
      %ne3A_564 = arith.constant 0 : i32
      %ne3A_565 = arith.cmpi ne, %rem3A_563, %ne3A_564 : i32
      %and3A_566 = arith.andi %ne3A_562, %ne3A_565 : i1
      %sub3A_567 = arith.constant 1 : i32
      %sub3A_568 = arith.subi %div3A_547, %sub3A_567 : i32
      %select_n3A_569 = arith.select %and3A_566, %sub3A_568, %div3A_547 : i32
      %add3A_570 = arith.addi %mul3A_545, %select_n3A_569 : i32
      %mul3A_571 = arith.constant 16 : i32
      %mul3A_572 = arith.muli %add3A_543, %mul3A_571 : i32
      %get3A_573 = arith.index_cast %mul3A_572 : i32 to index
      %get3A_574 = tpu.vector_load %arg6[%get3A_573] {strides = array<i32>} : memref<2048xi32, #tpu.memory_space<vmem>>, vector<16xi32>,
      %get3A_575 = vector.shape_cast %get3A_574 : vector<16xi32> to vector<16xi32>
      %mul3A_576 = arith.constant 16 : i32
      %mul3A_577 = arith.muli %add3A_543, %mul3A_576 : i32
      %get3A_578 = arith.index_cast %mul3A_577 : i32 to index
      %get3A_579 = tpu.vector_load %arg7[%get3A_578] {strides = array<i32>} : memref<2048xi32, #tpu.memory_space<vmem>>, vector<16xi32>,
      %get3A_580 = vector.shape_cast %get3A_579 : vector<16xi32> to vector<16xi32>
      %shift_right_arithmetic3A_581 = arith.constant 3 : i32
      %shift_right_arithmetic3A_582 = vector.broadcast %shift_right_arithmetic3A_581 : i32 to vector<16xi32>
      %shift_right_arithmetic3A_583 = arith.shrsi %get3A_575, %shift_right_arithmetic3A_582 : vector<16xi32>
      %mul3A_584 = arith.constant 4096 : i32
      %mul3A_585 = vector.broadcast %mul3A_584 : i32 to vector<16xi32>
      %mul3A_586 = arith.muli %shift_right_arithmetic3A_583, %mul3A_585 : vector<16xi32>
      %shift_right_arithmetic3A_587 = arith.constant 7 : i32
      %shift_right_arithmetic3A_588 = vector.broadcast %shift_right_arithmetic3A_587 : i32 to vector<16xi32>
      %shift_right_arithmetic3A_589 = arith.shrsi %get3A_580, %shift_right_arithmetic3A_588 : vector<16xi32>
      %mul3A_590 = arith.constant 1024 : i32
      %mul3A_591 = vector.broadcast %mul3A_590 : i32 to vector<16xi32>
      %mul3A_592 = arith.muli %shift_right_arithmetic3A_589, %mul3A_591 : vector<16xi32>
      %add3A_593 = arith.addi %mul3A_586, %mul3A_592 : vector<16xi32>
      %and3A_594 = arith.constant 7 : i32
      %and3A_595 = vector.broadcast %and3A_594 : i32 to vector<16xi32>
      %and3A_596 = arith.andi %get3A_575, %and3A_595 : vector<16xi32>
      %mul3A_597 = arith.constant 128 : i32
      %mul3A_598 = vector.broadcast %mul3A_597 : i32 to vector<16xi32>
      %mul3A_599 = arith.muli %and3A_596, %mul3A_598 : vector<16xi32>
      %add3A_600 = arith.addi %add3A_593, %mul3A_599 : vector<16xi32>
      %and3A_601 = arith.constant 127 : i32
      %and3A_602 = vector.broadcast %and3A_601 : i32 to vector<16xi32>
      %and3A_603 = arith.andi %get3A_580, %and3A_602 : vector<16xi32>
      %add3A_604 = arith.addi %add3A_600, %and3A_603 : vector<16xi32>
      %mul3A_605 = arith.constant 262144 : i32
      %mul3A_606 = arith.muli %add3A_570, %mul3A_605 : i32
      %add3A_607 = vector.broadcast %mul3A_606 : i32 to vector<16xi32>
      %add3A_608 = arith.addi %add3A_604, %add3A_607 : vector<16xi32>
      %swap3A_609 = arith.index_cast %scan3A_105 : i32 to index
      %swap3A_610 = arith.constant 96 : index
      %swap3A_611 = tpu.vector_load %arg8[%swap3A_609, %swap3A_610] {strides = array<i32>} : memref<16x128xi32, #tpu.memory_space<vmem>>, vector<1x16xi32>,
      %swap3A_612 = vector.shape_cast %swap3A_611 : vector<1x16xi32> to vector<16xi32>
      %swap3A_613 = vector.shape_cast %add3A_608 : vector<16xi32> to vector<1x16xi32>
      tpu.vector_store %arg8[%swap3A_609, %swap3A_610], %swap3A_613 {strides = array<i32>} : memref<16x128xi32, #tpu.memory_space<vmem>>, vector<1x16xi32>,
      %mul3A_614 = arith.constant 8 : i32
      %mul3A_615 = arith.muli %scan3A_105, %mul3A_614 : i32
      %add3A_616 = arith.constant 7 : i32
      %add3A_617 = arith.addi %mul3A_615, %add3A_616 : i32
      %mul3A_618 = arith.constant 4 : i32
      %mul3A_619 = arith.muli %add3A, %mul3A_618 : i32
      %jit3A_620 = arith.constant 32 : i32
      %div3A_621 = arith.divsi %add3A_617, %jit3A_620 : i32
      %sign3A_622 = arith.constant 0 : i32
      %sign3A_623 = arith.cmpi sgt, %add3A_617, %sign3A_622 : i32
      %sign3A_624 = arith.extui %sign3A_623 : i1 to i32
      %sign3A_625 = arith.constant 0 : i32
      %sign3A_626 = arith.cmpi slt, %add3A_617, %sign3A_625 : i32
      %sign3A_627 = arith.extui %sign3A_626 : i1 to i32
      %sign3A_628 = arith.subi %sign3A_624, %sign3A_627 : i32
      %sign3A_629 = arith.constant 0 : i32
      %sign3A_630 = arith.cmpi sgt, %jit3A_620, %sign3A_629 : i32
      %sign3A_631 = arith.extui %sign3A_630 : i1 to i32
      %sign3A_632 = arith.constant 0 : i32
      %sign3A_633 = arith.cmpi slt, %jit3A_620, %sign3A_632 : i32
      %sign3A_634 = arith.extui %sign3A_633 : i1 to i32
      %sign3A_635 = arith.subi %sign3A_631, %sign3A_634 : i32
      %ne3A_636 = arith.cmpi ne, %sign3A_628, %sign3A_635 : i32
      %rem3A_637 = arith.remsi %add3A_617, %jit3A_620 : i32
      %ne3A_638 = arith.constant 0 : i32
      %ne3A_639 = arith.cmpi ne, %rem3A_637, %ne3A_638 : i32
      %and3A_640 = arith.andi %ne3A_636, %ne3A_639 : i1
      %sub3A_641 = arith.constant 1 : i32
      %sub3A_642 = arith.subi %div3A_621, %sub3A_641 : i32
      %select_n3A_643 = arith.select %and3A_640, %sub3A_642, %div3A_621 : i32
      %add3A_644 = arith.addi %mul3A_619, %select_n3A_643 : i32
      %mul3A_645 = arith.constant 16 : i32
      %mul3A_646 = arith.muli %add3A_617, %mul3A_645 : i32
      %get3A_647 = arith.index_cast %mul3A_646 : i32 to index
      %get3A_648 = tpu.vector_load %arg6[%get3A_647] {strides = array<i32>} : memref<2048xi32, #tpu.memory_space<vmem>>, vector<16xi32>,
      %get3A_649 = vector.shape_cast %get3A_648 : vector<16xi32> to vector<16xi32>
      %mul3A_650 = arith.constant 16 : i32
      %mul3A_651 = arith.muli %add3A_617, %mul3A_650 : i32
      %get3A_652 = arith.index_cast %mul3A_651 : i32 to index
      %get3A_653 = tpu.vector_load %arg7[%get3A_652] {strides = array<i32>} : memref<2048xi32, #tpu.memory_space<vmem>>, vector<16xi32>,
      %get3A_654 = vector.shape_cast %get3A_653 : vector<16xi32> to vector<16xi32>
      %shift_right_arithmetic3A_655 = arith.constant 3 : i32
      %shift_right_arithmetic3A_656 = vector.broadcast %shift_right_arithmetic3A_655 : i32 to vector<16xi32>
      %shift_right_arithmetic3A_657 = arith.shrsi %get3A_649, %shift_right_arithmetic3A_656 : vector<16xi32>
      %mul3A_658 = arith.constant 4096 : i32
      %mul3A_659 = vector.broadcast %mul3A_658 : i32 to vector<16xi32>
      %mul3A_660 = arith.muli %shift_right_arithmetic3A_657, %mul3A_659 : vector<16xi32>
      %shift_right_arithmetic3A_661 = arith.constant 7 : i32
      %shift_right_arithmetic3A_662 = vector.broadcast %shift_right_arithmetic3A_661 : i32 to vector<16xi32>
      %shift_right_arithmetic3A_663 = arith.shrsi %get3A_654, %shift_right_arithmetic3A_662 : vector<16xi32>
      %mul3A_664 = arith.constant 1024 : i32
      %mul3A_665 = vector.broadcast %mul3A_664 : i32 to vector<16xi32>
      %mul3A_666 = arith.muli %shift_right_arithmetic3A_663, %mul3A_665 : vector<16xi32>
      %add3A_667 = arith.addi %mul3A_660, %mul3A_666 : vector<16xi32>
      %and3A_668 = arith.constant 7 : i32
      %and3A_669 = vector.broadcast %and3A_668 : i32 to vector<16xi32>
      %and3A_670 = arith.andi %get3A_649, %and3A_669 : vector<16xi32>
      %mul3A_671 = arith.constant 128 : i32
      %mul3A_672 = vector.broadcast %mul3A_671 : i32 to vector<16xi32>
      %mul3A_673 = arith.muli %and3A_670, %mul3A_672 : vector<16xi32>
      %add3A_674 = arith.addi %add3A_667, %mul3A_673 : vector<16xi32>
      %and3A_675 = arith.constant 127 : i32
      %and3A_676 = vector.broadcast %and3A_675 : i32 to vector<16xi32>
      %and3A_677 = arith.andi %get3A_654, %and3A_676 : vector<16xi32>
      %add3A_678 = arith.addi %add3A_674, %and3A_677 : vector<16xi32>
      %mul3A_679 = arith.constant 262144 : i32
      %mul3A_680 = arith.muli %add3A_644, %mul3A_679 : i32
      %add3A_681 = vector.broadcast %mul3A_680 : i32 to vector<16xi32>
      %add3A_682 = arith.addi %add3A_678, %add3A_681 : vector<16xi32>
      %swap3A_683 = arith.index_cast %scan3A_105 : i32 to index
      %swap3A_684 = arith.constant 112 : index
      %swap3A_685 = tpu.vector_load %arg8[%swap3A_683, %swap3A_684] {strides = array<i32>} : memref<16x128xi32, #tpu.memory_space<vmem>>, vector<1x16xi32>,
      %swap3A_686 = vector.shape_cast %swap3A_685 : vector<1x16xi32> to vector<16xi32>
      %swap3A_687 = vector.shape_cast %add3A_682 : vector<16xi32> to vector<1x16xi32>
      tpu.vector_store %arg8[%swap3A_683, %swap3A_684], %swap3A_687 {strides = array<i32>} : memref<16x128xi32, #tpu.memory_space<vmem>>, vector<1x16xi32>,
      %jit3A_688 = arith.constant 8 : i32
      %div3A_689 = arith.divsi %scan3A_105, %jit3A_688 : i32
      %sign3A_690 = arith.constant 0 : i32
      %sign3A_691 = arith.cmpi sgt, %scan3A_105, %sign3A_690 : i32
      %sign3A_692 = arith.extui %sign3A_691 : i1 to i32
      %sign3A_693 = arith.constant 0 : i32
      %sign3A_694 = arith.cmpi slt, %scan3A_105, %sign3A_693 : i32
      %sign3A_695 = arith.extui %sign3A_694 : i1 to i32
      %sign3A_696 = arith.subi %sign3A_692, %sign3A_695 : i32
      %sign3A_697 = arith.constant 0 : i32
      %sign3A_698 = arith.cmpi sgt, %jit3A_688, %sign3A_697 : i32
      %sign3A_699 = arith.extui %sign3A_698 : i1 to i32
      %sign3A_700 = arith.constant 0 : i32
      %sign3A_701 = arith.cmpi slt, %jit3A_688, %sign3A_700 : i32
      %sign3A_702 = arith.extui %sign3A_701 : i1 to i32
      %sign3A_703 = arith.subi %sign3A_699, %sign3A_702 : i32
      %ne3A_704 = arith.cmpi ne, %sign3A_696, %sign3A_703 : i32
      %rem3A_705 = arith.remsi %scan3A_105, %jit3A_688 : i32
      %ne3A_706 = arith.constant 0 : i32
      %ne3A_707 = arith.cmpi ne, %rem3A_705, %ne3A_706 : i32
      %and3A_708 = arith.andi %ne3A_704, %ne3A_707 : i1
      %sub3A_709 = arith.constant 1 : i32
      %sub3A_710 = arith.subi %div3A_689, %sub3A_709 : i32
      %select_n3A_711 = arith.select %and3A_708, %sub3A_710, %div3A_689 : i32
      %jit3A_712 = arith.constant 8 : i32
      %eq3A = arith.constant 0 : i32
      %eq3A_713 = arith.cmpi eq, %jit3A_712, %eq3A : i32
      %jit3A_714 = arith.constant 1 : i32
      %select_n3A_715 = arith.select %eq3A_713, %jit3A_714, %jit3A_712 : i32
      %rem3A_716 = arith.remsi %scan3A_105, %select_n3A_715 : i32
      %ne3A_717 = arith.constant 0 : i32
      %ne3A_718 = arith.cmpi ne, %rem3A_716, %ne3A_717 : i32
      %lt3A = arith.constant 0 : i32
      %lt3A_719 = arith.cmpi slt, %rem3A_716, %lt3A : i32
      %lt3A_720 = arith.constant 0 : i32
      %lt3A_721 = arith.cmpi slt, %select_n3A_715, %lt3A_720 : i32
      %ne3A_722 = arith.xori %lt3A_719, %lt3A_721 : i1
      %and3A_723 = arith.andi %ne3A_722, %ne3A_718 : i1
      %add3A_724 = arith.addi %rem3A_716, %select_n3A_715 : i32
      %select_n3A_725 = arith.select %and3A_723, %add3A_724, %rem3A_716 : i32
      %mul3A_726 = arith.constant 128 : i32
      %mul3A_727 = arith.muli %select_n3A_725, %mul3A_726 : i32
      %dma_start3A_728 = tpu.memref_slice %arg9[%select_n3A_711, %mul3A_727] : memref<2x1024xf32, #tpu.memory_space<vmem>> -> memref<1x128xf32, #tpu.memory_space<vmem>>
      %dma_start3A_729 = tpu.memref_squeeze %dma_start3A_728 : memref<1x128xf32, #tpu.memory_space<vmem>> -> memref<128xf32, #tpu.memory_space<vmem>>
      %dma_start3A_730 = arith.constant 0 : i32
      %dma_start3A_731 = tpu.memref_slice %arg8[%scan3A_105, %dma_start3A_730] : memref<16x128xi32, #tpu.memory_space<vmem>> -> memref<1x128xi32, #tpu.memory_space<vmem>>
      %dma_start3A_732 = tpu.memref_squeeze %dma_start3A_731 : memref<1x128xi32, #tpu.memory_space<vmem>> -> memref<128xi32, #tpu.memory_space<vmem>>
      %dma_start3A_733 = arith.constant 0 : i32
      %dma_start3A_734 = tpu.memref_slice %arg2[%dma_start3A_733] : memref<33554432xf32, #tpu.memory_space<hbm>> -> memref<33554432xf32, #tpu.memory_space<hbm>>
      tpu.enqueue_indirect_dma source(%dma_start3A_734 : memref<33554432xf32, #tpu.memory_space<hbm>>) target(%dma_start3A_729 : memref<128xf32, #tpu.memory_space<vmem>>) offsets(%dma_start3A_732 : memref<128xi32, #tpu.memory_space<vmem>>) semaphore(%arg12 : memref<!tpu.dma_semaphore, #tpu.memory_space<semaphore_mem>>)
    }
    %scan3A_45 = arith.constant 8 : i32
    %dma_wait3A_46 = arith.constant 1024 : i32
    %dma_wait3A_47 = tpu.memref_slice %arg6[%dma_wait3A_46] : memref<2048xi32, #tpu.memory_space<vmem>> -> memref<1024xi32, #tpu.memory_space<vmem>>
    %dma_wait3A_48 = tpu.memref_slice %arg3[%add3A_15] : memref<65536xi32, #tpu.memory_space<hbm>> -> memref<1024xi32, #tpu.memory_space<hbm>>
    %dma_wait3A_49 = arith.constant 1024 : i32
    %dma_wait3A_50 = tpu.memref_slice %arg6[%dma_wait3A_49] : memref<2048xi32, #tpu.memory_space<vmem>> -> memref<1024xi32, #tpu.memory_space<vmem>>
    %dma_wait3A_51 = tpu.memref_slice %arg3[%add3A_15] : memref<65536xi32, #tpu.memory_space<hbm>> -> memref<1024xi32, #tpu.memory_space<hbm>>
    tpu.wait_dma2 semaphore(%arg11 : memref<!tpu.dma_semaphore, #tpu.memory_space<semaphore_mem>>) src(%dma_wait3A_51 : memref<1024xi32, #tpu.memory_space<hbm>>) dst(%dma_wait3A_50 : memref<1024xi32, #tpu.memory_space<vmem>>)
    %dma_wait3A_52 = arith.constant 1024 : i32
    %dma_wait3A_53 = tpu.memref_slice %arg7[%dma_wait3A_52] : memref<2048xi32, #tpu.memory_space<vmem>> -> memref<1024xi32, #tpu.memory_space<vmem>>
    %dma_wait3A_54 = tpu.memref_slice %arg4[%add3A_23] : memref<65536xi32, #tpu.memory_space<hbm>> -> memref<1024xi32, #tpu.memory_space<hbm>>
    %dma_wait3A_55 = arith.constant 1024 : i32
    %dma_wait3A_56 = tpu.memref_slice %arg7[%dma_wait3A_55] : memref<2048xi32, #tpu.memory_space<vmem>> -> memref<1024xi32, #tpu.memory_space<vmem>>
    %dma_wait3A_57 = tpu.memref_slice %arg4[%add3A_23] : memref<65536xi32, #tpu.memory_space<hbm>> -> memref<1024xi32, #tpu.memory_space<hbm>>
    tpu.wait_dma2 semaphore(%arg11 : memref<!tpu.dma_semaphore, #tpu.memory_space<semaphore_mem>>) src(%dma_wait3A_57 : memref<1024xi32, #tpu.memory_space<hbm>>) dst(%dma_wait3A_56 : memref<1024xi32, #tpu.memory_space<vmem>>)
    %scan3A_58 = arith.constant 0 : i32
    %scan3A_59 = arith.constant 8 : i32
    %scan3A_60 = arith.constant 8 : i32
    %scan3A_61 = arith.addi %scan3A_59, %scan3A_60 : i32
    %scan3A_62 = arith.constant 1 : i32
    scf.for %scan3A_105 = %scan3A_59 to %scan3A_61 step %scan3A_62  : i32 {
      %mul3A_106 = arith.constant 8 : i32
      %mul3A_107 = arith.muli %scan3A_105, %mul3A_106 : i32
      %add3A_108 = arith.constant 0 : i32
      %add3A_109 = arith.addi %mul3A_107, %add3A_108 : i32
      %mul3A_110 = arith.constant 4 : i32
      %mul3A_111 = arith.muli %add3A, %mul3A_110 : i32
      %jit3A = arith.constant 32 : i32
      %div3A = arith.divsi %add3A_109, %jit3A : i32
      %sign3A = arith.constant 0 : i32
      %sign3A_112 = arith.cmpi sgt, %add3A_109, %sign3A : i32
      %sign3A_113 = arith.extui %sign3A_112 : i1 to i32
      %sign3A_114 = arith.constant 0 : i32
      %sign3A_115 = arith.cmpi slt, %add3A_109, %sign3A_114 : i32
      %sign3A_116 = arith.extui %sign3A_115 : i1 to i32
      %sign3A_117 = arith.subi %sign3A_113, %sign3A_116 : i32
      %sign3A_118 = arith.constant 0 : i32
      %sign3A_119 = arith.cmpi sgt, %jit3A, %sign3A_118 : i32
      %sign3A_120 = arith.extui %sign3A_119 : i1 to i32
      %sign3A_121 = arith.constant 0 : i32
      %sign3A_122 = arith.cmpi slt, %jit3A, %sign3A_121 : i32
      %sign3A_123 = arith.extui %sign3A_122 : i1 to i32
      %sign3A_124 = arith.subi %sign3A_120, %sign3A_123 : i32
      %ne3A = arith.cmpi ne, %sign3A_117, %sign3A_124 : i32
      %rem3A = arith.remsi %add3A_109, %jit3A : i32
      %ne3A_125 = arith.constant 0 : i32
      %ne3A_126 = arith.cmpi ne, %rem3A, %ne3A_125 : i32
      %and3A = arith.andi %ne3A, %ne3A_126 : i1
      %sub3A = arith.constant 1 : i32
      %sub3A_127 = arith.subi %div3A, %sub3A : i32
      %select_n3A = arith.select %and3A, %sub3A_127, %div3A : i32
      %add3A_128 = arith.addi %mul3A_111, %select_n3A : i32
      %mul3A_129 = arith.constant 16 : i32
      %mul3A_130 = arith.muli %add3A_109, %mul3A_129 : i32
      %get3A = arith.index_cast %mul3A_130 : i32 to index
      %get3A_131 = tpu.vector_load %arg6[%get3A] {strides = array<i32>} : memref<2048xi32, #tpu.memory_space<vmem>>, vector<16xi32>,
      %get3A_132 = vector.shape_cast %get3A_131 : vector<16xi32> to vector<16xi32>
      %mul3A_133 = arith.constant 16 : i32
      %mul3A_134 = arith.muli %add3A_109, %mul3A_133 : i32
      %get3A_135 = arith.index_cast %mul3A_134 : i32 to index
      %get3A_136 = tpu.vector_load %arg7[%get3A_135] {strides = array<i32>} : memref<2048xi32, #tpu.memory_space<vmem>>, vector<16xi32>,
      %get3A_137 = vector.shape_cast %get3A_136 : vector<16xi32> to vector<16xi32>
      %shift_right_arithmetic3A = arith.constant 3 : i32
      %shift_right_arithmetic3A_138 = vector.broadcast %shift_right_arithmetic3A : i32 to vector<16xi32>
      %shift_right_arithmetic3A_139 = arith.shrsi %get3A_132, %shift_right_arithmetic3A_138 : vector<16xi32>
      %mul3A_140 = arith.constant 4096 : i32
      %mul3A_141 = vector.broadcast %mul3A_140 : i32 to vector<16xi32>
      %mul3A_142 = arith.muli %shift_right_arithmetic3A_139, %mul3A_141 : vector<16xi32>
      %shift_right_arithmetic3A_143 = arith.constant 7 : i32
      %shift_right_arithmetic3A_144 = vector.broadcast %shift_right_arithmetic3A_143 : i32 to vector<16xi32>
      %shift_right_arithmetic3A_145 = arith.shrsi %get3A_137, %shift_right_arithmetic3A_144 : vector<16xi32>
      %mul3A_146 = arith.constant 1024 : i32
      %mul3A_147 = vector.broadcast %mul3A_146 : i32 to vector<16xi32>
      %mul3A_148 = arith.muli %shift_right_arithmetic3A_145, %mul3A_147 : vector<16xi32>
      %add3A_149 = arith.addi %mul3A_142, %mul3A_148 : vector<16xi32>
      %and3A_150 = arith.constant 7 : i32
      %and3A_151 = vector.broadcast %and3A_150 : i32 to vector<16xi32>
      %and3A_152 = arith.andi %get3A_132, %and3A_151 : vector<16xi32>
      %mul3A_153 = arith.constant 128 : i32
      %mul3A_154 = vector.broadcast %mul3A_153 : i32 to vector<16xi32>
      %mul3A_155 = arith.muli %and3A_152, %mul3A_154 : vector<16xi32>
      %add3A_156 = arith.addi %add3A_149, %mul3A_155 : vector<16xi32>
      %and3A_157 = arith.constant 127 : i32
      %and3A_158 = vector.broadcast %and3A_157 : i32 to vector<16xi32>
      %and3A_159 = arith.andi %get3A_137, %and3A_158 : vector<16xi32>
      %add3A_160 = arith.addi %add3A_156, %and3A_159 : vector<16xi32>
      %mul3A_161 = arith.constant 262144 : i32
      %mul3A_162 = arith.muli %add3A_128, %mul3A_161 : i32
      %add3A_163 = vector.broadcast %mul3A_162 : i32 to vector<16xi32>
      %add3A_164 = arith.addi %add3A_160, %add3A_163 : vector<16xi32>
      %swap3A_165 = arith.index_cast %scan3A_105 : i32 to index
      %swap3A_166 = arith.constant 0 : index
      %swap3A_167 = tpu.vector_load %arg8[%swap3A_165, %swap3A_166] {strides = array<i32>} : memref<16x128xi32, #tpu.memory_space<vmem>>, vector<1x16xi32>,
      %swap3A_168 = vector.shape_cast %swap3A_167 : vector<1x16xi32> to vector<16xi32>
      %swap3A_169 = vector.shape_cast %add3A_164 : vector<16xi32> to vector<1x16xi32>
      tpu.vector_store %arg8[%swap3A_165, %swap3A_166], %swap3A_169 {strides = array<i32>} : memref<16x128xi32, #tpu.memory_space<vmem>>, vector<1x16xi32>,
      %mul3A_170 = arith.constant 8 : i32
      %mul3A_171 = arith.muli %scan3A_105, %mul3A_170 : i32
      %add3A_172 = arith.constant 1 : i32
      %add3A_173 = arith.addi %mul3A_171, %add3A_172 : i32
      %mul3A_174 = arith.constant 4 : i32
      %mul3A_175 = arith.muli %add3A, %mul3A_174 : i32
      %jit3A_176 = arith.constant 32 : i32
      %div3A_177 = arith.divsi %add3A_173, %jit3A_176 : i32
      %sign3A_178 = arith.constant 0 : i32
      %sign3A_179 = arith.cmpi sgt, %add3A_173, %sign3A_178 : i32
      %sign3A_180 = arith.extui %sign3A_179 : i1 to i32
      %sign3A_181 = arith.constant 0 : i32
      %sign3A_182 = arith.cmpi slt, %add3A_173, %sign3A_181 : i32
      %sign3A_183 = arith.extui %sign3A_182 : i1 to i32
      %sign3A_184 = arith.subi %sign3A_180, %sign3A_183 : i32
      %sign3A_185 = arith.constant 0 : i32
      %sign3A_186 = arith.cmpi sgt, %jit3A_176, %sign3A_185 : i32
      %sign3A_187 = arith.extui %sign3A_186 : i1 to i32
      %sign3A_188 = arith.constant 0 : i32
      %sign3A_189 = arith.cmpi slt, %jit3A_176, %sign3A_188 : i32
      %sign3A_190 = arith.extui %sign3A_189 : i1 to i32
      %sign3A_191 = arith.subi %sign3A_187, %sign3A_190 : i32
      %ne3A_192 = arith.cmpi ne, %sign3A_184, %sign3A_191 : i32
      %rem3A_193 = arith.remsi %add3A_173, %jit3A_176 : i32
      %ne3A_194 = arith.constant 0 : i32
      %ne3A_195 = arith.cmpi ne, %rem3A_193, %ne3A_194 : i32
      %and3A_196 = arith.andi %ne3A_192, %ne3A_195 : i1
      %sub3A_197 = arith.constant 1 : i32
      %sub3A_198 = arith.subi %div3A_177, %sub3A_197 : i32
      %select_n3A_199 = arith.select %and3A_196, %sub3A_198, %div3A_177 : i32
      %add3A_200 = arith.addi %mul3A_175, %select_n3A_199 : i32
      %mul3A_201 = arith.constant 16 : i32
      %mul3A_202 = arith.muli %add3A_173, %mul3A_201 : i32
      %get3A_203 = arith.index_cast %mul3A_202 : i32 to index
      %get3A_204 = tpu.vector_load %arg6[%get3A_203] {strides = array<i32>} : memref<2048xi32, #tpu.memory_space<vmem>>, vector<16xi32>,
      %get3A_205 = vector.shape_cast %get3A_204 : vector<16xi32> to vector<16xi32>
      %mul3A_206 = arith.constant 16 : i32
      %mul3A_207 = arith.muli %add3A_173, %mul3A_206 : i32
      %get3A_208 = arith.index_cast %mul3A_207 : i32 to index
      %get3A_209 = tpu.vector_load %arg7[%get3A_208] {strides = array<i32>} : memref<2048xi32, #tpu.memory_space<vmem>>, vector<16xi32>,
      %get3A_210 = vector.shape_cast %get3A_209 : vector<16xi32> to vector<16xi32>
      %shift_right_arithmetic3A_211 = arith.constant 3 : i32
      %shift_right_arithmetic3A_212 = vector.broadcast %shift_right_arithmetic3A_211 : i32 to vector<16xi32>
      %shift_right_arithmetic3A_213 = arith.shrsi %get3A_205, %shift_right_arithmetic3A_212 : vector<16xi32>
      %mul3A_214 = arith.constant 4096 : i32
      %mul3A_215 = vector.broadcast %mul3A_214 : i32 to vector<16xi32>
      %mul3A_216 = arith.muli %shift_right_arithmetic3A_213, %mul3A_215 : vector<16xi32>
      %shift_right_arithmetic3A_217 = arith.constant 7 : i32
      %shift_right_arithmetic3A_218 = vector.broadcast %shift_right_arithmetic3A_217 : i32 to vector<16xi32>
      %shift_right_arithmetic3A_219 = arith.shrsi %get3A_210, %shift_right_arithmetic3A_218 : vector<16xi32>
      %mul3A_220 = arith.constant 1024 : i32
      %mul3A_221 = vector.broadcast %mul3A_220 : i32 to vector<16xi32>
      %mul3A_222 = arith.muli %shift_right_arithmetic3A_219, %mul3A_221 : vector<16xi32>
      %add3A_223 = arith.addi %mul3A_216, %mul3A_222 : vector<16xi32>
      %and3A_224 = arith.constant 7 : i32
      %and3A_225 = vector.broadcast %and3A_224 : i32 to vector<16xi32>
      %and3A_226 = arith.andi %get3A_205, %and3A_225 : vector<16xi32>
      %mul3A_227 = arith.constant 128 : i32
      %mul3A_228 = vector.broadcast %mul3A_227 : i32 to vector<16xi32>
      %mul3A_229 = arith.muli %and3A_226, %mul3A_228 : vector<16xi32>
      %add3A_230 = arith.addi %add3A_223, %mul3A_229 : vector<16xi32>
      %and3A_231 = arith.constant 127 : i32
      %and3A_232 = vector.broadcast %and3A_231 : i32 to vector<16xi32>
      %and3A_233 = arith.andi %get3A_210, %and3A_232 : vector<16xi32>
      %add3A_234 = arith.addi %add3A_230, %and3A_233 : vector<16xi32>
      %mul3A_235 = arith.constant 262144 : i32
      %mul3A_236 = arith.muli %add3A_200, %mul3A_235 : i32
      %add3A_237 = vector.broadcast %mul3A_236 : i32 to vector<16xi32>
      %add3A_238 = arith.addi %add3A_234, %add3A_237 : vector<16xi32>
      %swap3A_239 = arith.index_cast %scan3A_105 : i32 to index
      %swap3A_240 = arith.constant 16 : index
      %swap3A_241 = tpu.vector_load %arg8[%swap3A_239, %swap3A_240] {strides = array<i32>} : memref<16x128xi32, #tpu.memory_space<vmem>>, vector<1x16xi32>,
      %swap3A_242 = vector.shape_cast %swap3A_241 : vector<1x16xi32> to vector<16xi32>
      %swap3A_243 = vector.shape_cast %add3A_238 : vector<16xi32> to vector<1x16xi32>
      tpu.vector_store %arg8[%swap3A_239, %swap3A_240], %swap3A_243 {strides = array<i32>} : memref<16x128xi32, #tpu.memory_space<vmem>>, vector<1x16xi32>,
      %mul3A_244 = arith.constant 8 : i32
      %mul3A_245 = arith.muli %scan3A_105, %mul3A_244 : i32
      %add3A_246 = arith.constant 2 : i32
      %add3A_247 = arith.addi %mul3A_245, %add3A_246 : i32
      %mul3A_248 = arith.constant 4 : i32
      %mul3A_249 = arith.muli %add3A, %mul3A_248 : i32
      %jit3A_250 = arith.constant 32 : i32
      %div3A_251 = arith.divsi %add3A_247, %jit3A_250 : i32
      %sign3A_252 = arith.constant 0 : i32
      %sign3A_253 = arith.cmpi sgt, %add3A_247, %sign3A_252 : i32
      %sign3A_254 = arith.extui %sign3A_253 : i1 to i32
      %sign3A_255 = arith.constant 0 : i32
      %sign3A_256 = arith.cmpi slt, %add3A_247, %sign3A_255 : i32
      %sign3A_257 = arith.extui %sign3A_256 : i1 to i32
      %sign3A_258 = arith.subi %sign3A_254, %sign3A_257 : i32
      %sign3A_259 = arith.constant 0 : i32
      %sign3A_260 = arith.cmpi sgt, %jit3A_250, %sign3A_259 : i32
      %sign3A_261 = arith.extui %sign3A_260 : i1 to i32
      %sign3A_262 = arith.constant 0 : i32
      %sign3A_263 = arith.cmpi slt, %jit3A_250, %sign3A_262 : i32
      %sign3A_264 = arith.extui %sign3A_263 : i1 to i32
      %sign3A_265 = arith.subi %sign3A_261, %sign3A_264 : i32
      %ne3A_266 = arith.cmpi ne, %sign3A_258, %sign3A_265 : i32
      %rem3A_267 = arith.remsi %add3A_247, %jit3A_250 : i32
      %ne3A_268 = arith.constant 0 : i32
      %ne3A_269 = arith.cmpi ne, %rem3A_267, %ne3A_268 : i32
      %and3A_270 = arith.andi %ne3A_266, %ne3A_269 : i1
      %sub3A_271 = arith.constant 1 : i32
      %sub3A_272 = arith.subi %div3A_251, %sub3A_271 : i32
      %select_n3A_273 = arith.select %and3A_270, %sub3A_272, %div3A_251 : i32
      %add3A_274 = arith.addi %mul3A_249, %select_n3A_273 : i32
      %mul3A_275 = arith.constant 16 : i32
      %mul3A_276 = arith.muli %add3A_247, %mul3A_275 : i32
      %get3A_277 = arith.index_cast %mul3A_276 : i32 to index
      %get3A_278 = tpu.vector_load %arg6[%get3A_277] {strides = array<i32>} : memref<2048xi32, #tpu.memory_space<vmem>>, vector<16xi32>,
      %get3A_279 = vector.shape_cast %get3A_278 : vector<16xi32> to vector<16xi32>
      %mul3A_280 = arith.constant 16 : i32
      %mul3A_281 = arith.muli %add3A_247, %mul3A_280 : i32
      %get3A_282 = arith.index_cast %mul3A_281 : i32 to index
      %get3A_283 = tpu.vector_load %arg7[%get3A_282] {strides = array<i32>} : memref<2048xi32, #tpu.memory_space<vmem>>, vector<16xi32>,
      %get3A_284 = vector.shape_cast %get3A_283 : vector<16xi32> to vector<16xi32>
      %shift_right_arithmetic3A_285 = arith.constant 3 : i32
      %shift_right_arithmetic3A_286 = vector.broadcast %shift_right_arithmetic3A_285 : i32 to vector<16xi32>
      %shift_right_arithmetic3A_287 = arith.shrsi %get3A_279, %shift_right_arithmetic3A_286 : vector<16xi32>
      %mul3A_288 = arith.constant 4096 : i32
      %mul3A_289 = vector.broadcast %mul3A_288 : i32 to vector<16xi32>
      %mul3A_290 = arith.muli %shift_right_arithmetic3A_287, %mul3A_289 : vector<16xi32>
      %shift_right_arithmetic3A_291 = arith.constant 7 : i32
      %shift_right_arithmetic3A_292 = vector.broadcast %shift_right_arithmetic3A_291 : i32 to vector<16xi32>
      %shift_right_arithmetic3A_293 = arith.shrsi %get3A_284, %shift_right_arithmetic3A_292 : vector<16xi32>
      %mul3A_294 = arith.constant 1024 : i32
      %mul3A_295 = vector.broadcast %mul3A_294 : i32 to vector<16xi32>
      %mul3A_296 = arith.muli %shift_right_arithmetic3A_293, %mul3A_295 : vector<16xi32>
      %add3A_297 = arith.addi %mul3A_290, %mul3A_296 : vector<16xi32>
      %and3A_298 = arith.constant 7 : i32
      %and3A_299 = vector.broadcast %and3A_298 : i32 to vector<16xi32>
      %and3A_300 = arith.andi %get3A_279, %and3A_299 : vector<16xi32>
      %mul3A_301 = arith.constant 128 : i32
      %mul3A_302 = vector.broadcast %mul3A_301 : i32 to vector<16xi32>
      %mul3A_303 = arith.muli %and3A_300, %mul3A_302 : vector<16xi32>
      %add3A_304 = arith.addi %add3A_297, %mul3A_303 : vector<16xi32>
      %and3A_305 = arith.constant 127 : i32
      %and3A_306 = vector.broadcast %and3A_305 : i32 to vector<16xi32>
      %and3A_307 = arith.andi %get3A_284, %and3A_306 : vector<16xi32>
      %add3A_308 = arith.addi %add3A_304, %and3A_307 : vector<16xi32>
      %mul3A_309 = arith.constant 262144 : i32
      %mul3A_310 = arith.muli %add3A_274, %mul3A_309 : i32
      %add3A_311 = vector.broadcast %mul3A_310 : i32 to vector<16xi32>
      %add3A_312 = arith.addi %add3A_308, %add3A_311 : vector<16xi32>
      %swap3A_313 = arith.index_cast %scan3A_105 : i32 to index
      %swap3A_314 = arith.constant 32 : index
      %swap3A_315 = tpu.vector_load %arg8[%swap3A_313, %swap3A_314] {strides = array<i32>} : memref<16x128xi32, #tpu.memory_space<vmem>>, vector<1x16xi32>,
      %swap3A_316 = vector.shape_cast %swap3A_315 : vector<1x16xi32> to vector<16xi32>
      %swap3A_317 = vector.shape_cast %add3A_312 : vector<16xi32> to vector<1x16xi32>
      tpu.vector_store %arg8[%swap3A_313, %swap3A_314], %swap3A_317 {strides = array<i32>} : memref<16x128xi32, #tpu.memory_space<vmem>>, vector<1x16xi32>,
      %mul3A_318 = arith.constant 8 : i32
      %mul3A_319 = arith.muli %scan3A_105, %mul3A_318 : i32
      %add3A_320 = arith.constant 3 : i32
      %add3A_321 = arith.addi %mul3A_319, %add3A_320 : i32
      %mul3A_322 = arith.constant 4 : i32
      %mul3A_323 = arith.muli %add3A, %mul3A_322 : i32
      %jit3A_324 = arith.constant 32 : i32
      %div3A_325 = arith.divsi %add3A_321, %jit3A_324 : i32
      %sign3A_326 = arith.constant 0 : i32
      %sign3A_327 = arith.cmpi sgt, %add3A_321, %sign3A_326 : i32
      %sign3A_328 = arith.extui %sign3A_327 : i1 to i32
      %sign3A_329 = arith.constant 0 : i32
      %sign3A_330 = arith.cmpi slt, %add3A_321, %sign3A_329 : i32
      %sign3A_331 = arith.extui %sign3A_330 : i1 to i32
      %sign3A_332 = arith.subi %sign3A_328, %sign3A_331 : i32
      %sign3A_333 = arith.constant 0 : i32
      %sign3A_334 = arith.cmpi sgt, %jit3A_324, %sign3A_333 : i32
      %sign3A_335 = arith.extui %sign3A_334 : i1 to i32
      %sign3A_336 = arith.constant 0 : i32
      %sign3A_337 = arith.cmpi slt, %jit3A_324, %sign3A_336 : i32
      %sign3A_338 = arith.extui %sign3A_337 : i1 to i32
      %sign3A_339 = arith.subi %sign3A_335, %sign3A_338 : i32
      %ne3A_340 = arith.cmpi ne, %sign3A_332, %sign3A_339 : i32
      %rem3A_341 = arith.remsi %add3A_321, %jit3A_324 : i32
      %ne3A_342 = arith.constant 0 : i32
      %ne3A_343 = arith.cmpi ne, %rem3A_341, %ne3A_342 : i32
      %and3A_344 = arith.andi %ne3A_340, %ne3A_343 : i1
      %sub3A_345 = arith.constant 1 : i32
      %sub3A_346 = arith.subi %div3A_325, %sub3A_345 : i32
      %select_n3A_347 = arith.select %and3A_344, %sub3A_346, %div3A_325 : i32
      %add3A_348 = arith.addi %mul3A_323, %select_n3A_347 : i32
      %mul3A_349 = arith.constant 16 : i32
      %mul3A_350 = arith.muli %add3A_321, %mul3A_349 : i32
      %get3A_351 = arith.index_cast %mul3A_350 : i32 to index
      %get3A_352 = tpu.vector_load %arg6[%get3A_351] {strides = array<i32>} : memref<2048xi32, #tpu.memory_space<vmem>>, vector<16xi32>,
      %get3A_353 = vector.shape_cast %get3A_352 : vector<16xi32> to vector<16xi32>
      %mul3A_354 = arith.constant 16 : i32
      %mul3A_355 = arith.muli %add3A_321, %mul3A_354 : i32
      %get3A_356 = arith.index_cast %mul3A_355 : i32 to index
      %get3A_357 = tpu.vector_load %arg7[%get3A_356] {strides = array<i32>} : memref<2048xi32, #tpu.memory_space<vmem>>, vector<16xi32>,
      %get3A_358 = vector.shape_cast %get3A_357 : vector<16xi32> to vector<16xi32>
      %shift_right_arithmetic3A_359 = arith.constant 3 : i32
      %shift_right_arithmetic3A_360 = vector.broadcast %shift_right_arithmetic3A_359 : i32 to vector<16xi32>
      %shift_right_arithmetic3A_361 = arith.shrsi %get3A_353, %shift_right_arithmetic3A_360 : vector<16xi32>
      %mul3A_362 = arith.constant 4096 : i32
      %mul3A_363 = vector.broadcast %mul3A_362 : i32 to vector<16xi32>
      %mul3A_364 = arith.muli %shift_right_arithmetic3A_361, %mul3A_363 : vector<16xi32>
      %shift_right_arithmetic3A_365 = arith.constant 7 : i32
      %shift_right_arithmetic3A_366 = vector.broadcast %shift_right_arithmetic3A_365 : i32 to vector<16xi32>
      %shift_right_arithmetic3A_367 = arith.shrsi %get3A_358, %shift_right_arithmetic3A_366 : vector<16xi32>
      %mul3A_368 = arith.constant 1024 : i32
      %mul3A_369 = vector.broadcast %mul3A_368 : i32 to vector<16xi32>
      %mul3A_370 = arith.muli %shift_right_arithmetic3A_367, %mul3A_369 : vector<16xi32>
      %add3A_371 = arith.addi %mul3A_364, %mul3A_370 : vector<16xi32>
      %and3A_372 = arith.constant 7 : i32
      %and3A_373 = vector.broadcast %and3A_372 : i32 to vector<16xi32>
      %and3A_374 = arith.andi %get3A_353, %and3A_373 : vector<16xi32>
      %mul3A_375 = arith.constant 128 : i32
      %mul3A_376 = vector.broadcast %mul3A_375 : i32 to vector<16xi32>
      %mul3A_377 = arith.muli %and3A_374, %mul3A_376 : vector<16xi32>
      %add3A_378 = arith.addi %add3A_371, %mul3A_377 : vector<16xi32>
      %and3A_379 = arith.constant 127 : i32
      %and3A_380 = vector.broadcast %and3A_379 : i32 to vector<16xi32>
      %and3A_381 = arith.andi %get3A_358, %and3A_380 : vector<16xi32>
      %add3A_382 = arith.addi %add3A_378, %and3A_381 : vector<16xi32>
      %mul3A_383 = arith.constant 262144 : i32
      %mul3A_384 = arith.muli %add3A_348, %mul3A_383 : i32
      %add3A_385 = vector.broadcast %mul3A_384 : i32 to vector<16xi32>
      %add3A_386 = arith.addi %add3A_382, %add3A_385 : vector<16xi32>
      %swap3A_387 = arith.index_cast %scan3A_105 : i32 to index
      %swap3A_388 = arith.constant 48 : index
      %swap3A_389 = tpu.vector_load %arg8[%swap3A_387, %swap3A_388] {strides = array<i32>} : memref<16x128xi32, #tpu.memory_space<vmem>>, vector<1x16xi32>,
      %swap3A_390 = vector.shape_cast %swap3A_389 : vector<1x16xi32> to vector<16xi32>
      %swap3A_391 = vector.shape_cast %add3A_386 : vector<16xi32> to vector<1x16xi32>
      tpu.vector_store %arg8[%swap3A_387, %swap3A_388], %swap3A_391 {strides = array<i32>} : memref<16x128xi32, #tpu.memory_space<vmem>>, vector<1x16xi32>,
      %mul3A_392 = arith.constant 8 : i32
      %mul3A_393 = arith.muli %scan3A_105, %mul3A_392 : i32
      %add3A_394 = arith.constant 4 : i32
      %add3A_395 = arith.addi %mul3A_393, %add3A_394 : i32
      %mul3A_396 = arith.constant 4 : i32
      %mul3A_397 = arith.muli %add3A, %mul3A_396 : i32
      %jit3A_398 = arith.constant 32 : i32
      %div3A_399 = arith.divsi %add3A_395, %jit3A_398 : i32
      %sign3A_400 = arith.constant 0 : i32
      %sign3A_401 = arith.cmpi sgt, %add3A_395, %sign3A_400 : i32
      %sign3A_402 = arith.extui %sign3A_401 : i1 to i32
      %sign3A_403 = arith.constant 0 : i32
      %sign3A_404 = arith.cmpi slt, %add3A_395, %sign3A_403 : i32
      %sign3A_405 = arith.extui %sign3A_404 : i1 to i32
      %sign3A_406 = arith.subi %sign3A_402, %sign3A_405 : i32
      %sign3A_407 = arith.constant 0 : i32
      %sign3A_408 = arith.cmpi sgt, %jit3A_398, %sign3A_407 : i32
      %sign3A_409 = arith.extui %sign3A_408 : i1 to i32
      %sign3A_410 = arith.constant 0 : i32
      %sign3A_411 = arith.cmpi slt, %jit3A_398, %sign3A_410 : i32
      %sign3A_412 = arith.extui %sign3A_411 : i1 to i32
      %sign3A_413 = arith.subi %sign3A_409, %sign3A_412 : i32
      %ne3A_414 = arith.cmpi ne, %sign3A_406, %sign3A_413 : i32
      %rem3A_415 = arith.remsi %add3A_395, %jit3A_398 : i32
      %ne3A_416 = arith.constant 0 : i32
      %ne3A_417 = arith.cmpi ne, %rem3A_415, %ne3A_416 : i32
      %and3A_418 = arith.andi %ne3A_414, %ne3A_417 : i1
      %sub3A_419 = arith.constant 1 : i32
      %sub3A_420 = arith.subi %div3A_399, %sub3A_419 : i32
      %select_n3A_421 = arith.select %and3A_418, %sub3A_420, %div3A_399 : i32
      %add3A_422 = arith.addi %mul3A_397, %select_n3A_421 : i32
      %mul3A_423 = arith.constant 16 : i32
      %mul3A_424 = arith.muli %add3A_395, %mul3A_423 : i32
      %get3A_425 = arith.index_cast %mul3A_424 : i32 to index
      %get3A_426 = tpu.vector_load %arg6[%get3A_425] {strides = array<i32>} : memref<2048xi32, #tpu.memory_space<vmem>>, vector<16xi32>,
      %get3A_427 = vector.shape_cast %get3A_426 : vector<16xi32> to vector<16xi32>
      %mul3A_428 = arith.constant 16 : i32
      %mul3A_429 = arith.muli %add3A_395, %mul3A_428 : i32
      %get3A_430 = arith.index_cast %mul3A_429 : i32 to index
      %get3A_431 = tpu.vector_load %arg7[%get3A_430] {strides = array<i32>} : memref<2048xi32, #tpu.memory_space<vmem>>, vector<16xi32>,
      %get3A_432 = vector.shape_cast %get3A_431 : vector<16xi32> to vector<16xi32>
      %shift_right_arithmetic3A_433 = arith.constant 3 : i32
      %shift_right_arithmetic3A_434 = vector.broadcast %shift_right_arithmetic3A_433 : i32 to vector<16xi32>
      %shift_right_arithmetic3A_435 = arith.shrsi %get3A_427, %shift_right_arithmetic3A_434 : vector<16xi32>
      %mul3A_436 = arith.constant 4096 : i32
      %mul3A_437 = vector.broadcast %mul3A_436 : i32 to vector<16xi32>
      %mul3A_438 = arith.muli %shift_right_arithmetic3A_435, %mul3A_437 : vector<16xi32>
      %shift_right_arithmetic3A_439 = arith.constant 7 : i32
      %shift_right_arithmetic3A_440 = vector.broadcast %shift_right_arithmetic3A_439 : i32 to vector<16xi32>
      %shift_right_arithmetic3A_441 = arith.shrsi %get3A_432, %shift_right_arithmetic3A_440 : vector<16xi32>
      %mul3A_442 = arith.constant 1024 : i32
      %mul3A_443 = vector.broadcast %mul3A_442 : i32 to vector<16xi32>
      %mul3A_444 = arith.muli %shift_right_arithmetic3A_441, %mul3A_443 : vector<16xi32>
      %add3A_445 = arith.addi %mul3A_438, %mul3A_444 : vector<16xi32>
      %and3A_446 = arith.constant 7 : i32
      %and3A_447 = vector.broadcast %and3A_446 : i32 to vector<16xi32>
      %and3A_448 = arith.andi %get3A_427, %and3A_447 : vector<16xi32>
      %mul3A_449 = arith.constant 128 : i32
      %mul3A_450 = vector.broadcast %mul3A_449 : i32 to vector<16xi32>
      %mul3A_451 = arith.muli %and3A_448, %mul3A_450 : vector<16xi32>
      %add3A_452 = arith.addi %add3A_445, %mul3A_451 : vector<16xi32>
      %and3A_453 = arith.constant 127 : i32
      %and3A_454 = vector.broadcast %and3A_453 : i32 to vector<16xi32>
      %and3A_455 = arith.andi %get3A_432, %and3A_454 : vector<16xi32>
      %add3A_456 = arith.addi %add3A_452, %and3A_455 : vector<16xi32>
      %mul3A_457 = arith.constant 262144 : i32
      %mul3A_458 = arith.muli %add3A_422, %mul3A_457 : i32
      %add3A_459 = vector.broadcast %mul3A_458 : i32 to vector<16xi32>
      %add3A_460 = arith.addi %add3A_456, %add3A_459 : vector<16xi32>
      %swap3A_461 = arith.index_cast %scan3A_105 : i32 to index
      %swap3A_462 = arith.constant 64 : index
      %swap3A_463 = tpu.vector_load %arg8[%swap3A_461, %swap3A_462] {strides = array<i32>} : memref<16x128xi32, #tpu.memory_space<vmem>>, vector<1x16xi32>,
      %swap3A_464 = vector.shape_cast %swap3A_463 : vector<1x16xi32> to vector<16xi32>
      %swap3A_465 = vector.shape_cast %add3A_460 : vector<16xi32> to vector<1x16xi32>
      tpu.vector_store %arg8[%swap3A_461, %swap3A_462], %swap3A_465 {strides = array<i32>} : memref<16x128xi32, #tpu.memory_space<vmem>>, vector<1x16xi32>,
      %mul3A_466 = arith.constant 8 : i32
      %mul3A_467 = arith.muli %scan3A_105, %mul3A_466 : i32
      %add3A_468 = arith.constant 5 : i32
      %add3A_469 = arith.addi %mul3A_467, %add3A_468 : i32
      %mul3A_470 = arith.constant 4 : i32
      %mul3A_471 = arith.muli %add3A, %mul3A_470 : i32
      %jit3A_472 = arith.constant 32 : i32
      %div3A_473 = arith.divsi %add3A_469, %jit3A_472 : i32
      %sign3A_474 = arith.constant 0 : i32
      %sign3A_475 = arith.cmpi sgt, %add3A_469, %sign3A_474 : i32
      %sign3A_476 = arith.extui %sign3A_475 : i1 to i32
      %sign3A_477 = arith.constant 0 : i32
      %sign3A_478 = arith.cmpi slt, %add3A_469, %sign3A_477 : i32
      %sign3A_479 = arith.extui %sign3A_478 : i1 to i32
      %sign3A_480 = arith.subi %sign3A_476, %sign3A_479 : i32
      %sign3A_481 = arith.constant 0 : i32
      %sign3A_482 = arith.cmpi sgt, %jit3A_472, %sign3A_481 : i32
      %sign3A_483 = arith.extui %sign3A_482 : i1 to i32
      %sign3A_484 = arith.constant 0 : i32
      %sign3A_485 = arith.cmpi slt, %jit3A_472, %sign3A_484 : i32
      %sign3A_486 = arith.extui %sign3A_485 : i1 to i32
      %sign3A_487 = arith.subi %sign3A_483, %sign3A_486 : i32
      %ne3A_488 = arith.cmpi ne, %sign3A_480, %sign3A_487 : i32
      %rem3A_489 = arith.remsi %add3A_469, %jit3A_472 : i32
      %ne3A_490 = arith.constant 0 : i32
      %ne3A_491 = arith.cmpi ne, %rem3A_489, %ne3A_490 : i32
      %and3A_492 = arith.andi %ne3A_488, %ne3A_491 : i1
      %sub3A_493 = arith.constant 1 : i32
      %sub3A_494 = arith.subi %div3A_473, %sub3A_493 : i32
      %select_n3A_495 = arith.select %and3A_492, %sub3A_494, %div3A_473 : i32
      %add3A_496 = arith.addi %mul3A_471, %select_n3A_495 : i32
      %mul3A_497 = arith.constant 16 : i32
      %mul3A_498 = arith.muli %add3A_469, %mul3A_497 : i32
      %get3A_499 = arith.index_cast %mul3A_498 : i32 to index
      %get3A_500 = tpu.vector_load %arg6[%get3A_499] {strides = array<i32>} : memref<2048xi32, #tpu.memory_space<vmem>>, vector<16xi32>,
      %get3A_501 = vector.shape_cast %get3A_500 : vector<16xi32> to vector<16xi32>
      %mul3A_502 = arith.constant 16 : i32
      %mul3A_503 = arith.muli %add3A_469, %mul3A_502 : i32
      %get3A_504 = arith.index_cast %mul3A_503 : i32 to index
      %get3A_505 = tpu.vector_load %arg7[%get3A_504] {strides = array<i32>} : memref<2048xi32, #tpu.memory_space<vmem>>, vector<16xi32>,
      %get3A_506 = vector.shape_cast %get3A_505 : vector<16xi32> to vector<16xi32>
      %shift_right_arithmetic3A_507 = arith.constant 3 : i32
      %shift_right_arithmetic3A_508 = vector.broadcast %shift_right_arithmetic3A_507 : i32 to vector<16xi32>
      %shift_right_arithmetic3A_509 = arith.shrsi %get3A_501, %shift_right_arithmetic3A_508 : vector<16xi32>
      %mul3A_510 = arith.constant 4096 : i32
      %mul3A_511 = vector.broadcast %mul3A_510 : i32 to vector<16xi32>
      %mul3A_512 = arith.muli %shift_right_arithmetic3A_509, %mul3A_511 : vector<16xi32>
      %shift_right_arithmetic3A_513 = arith.constant 7 : i32
      %shift_right_arithmetic3A_514 = vector.broadcast %shift_right_arithmetic3A_513 : i32 to vector<16xi32>
      %shift_right_arithmetic3A_515 = arith.shrsi %get3A_506, %shift_right_arithmetic3A_514 : vector<16xi32>
      %mul3A_516 = arith.constant 1024 : i32
      %mul3A_517 = vector.broadcast %mul3A_516 : i32 to vector<16xi32>
      %mul3A_518 = arith.muli %shift_right_arithmetic3A_515, %mul3A_517 : vector<16xi32>
      %add3A_519 = arith.addi %mul3A_512, %mul3A_518 : vector<16xi32>
      %and3A_520 = arith.constant 7 : i32
      %and3A_521 = vector.broadcast %and3A_520 : i32 to vector<16xi32>
      %and3A_522 = arith.andi %get3A_501, %and3A_521 : vector<16xi32>
      %mul3A_523 = arith.constant 128 : i32
      %mul3A_524 = vector.broadcast %mul3A_523 : i32 to vector<16xi32>
      %mul3A_525 = arith.muli %and3A_522, %mul3A_524 : vector<16xi32>
      %add3A_526 = arith.addi %add3A_519, %mul3A_525 : vector<16xi32>
      %and3A_527 = arith.constant 127 : i32
      %and3A_528 = vector.broadcast %and3A_527 : i32 to vector<16xi32>
      %and3A_529 = arith.andi %get3A_506, %and3A_528 : vector<16xi32>
      %add3A_530 = arith.addi %add3A_526, %and3A_529 : vector<16xi32>
      %mul3A_531 = arith.constant 262144 : i32
      %mul3A_532 = arith.muli %add3A_496, %mul3A_531 : i32
      %add3A_533 = vector.broadcast %mul3A_532 : i32 to vector<16xi32>
      %add3A_534 = arith.addi %add3A_530, %add3A_533 : vector<16xi32>
      %swap3A_535 = arith.index_cast %scan3A_105 : i32 to index
      %swap3A_536 = arith.constant 80 : index
      %swap3A_537 = tpu.vector_load %arg8[%swap3A_535, %swap3A_536] {strides = array<i32>} : memref<16x128xi32, #tpu.memory_space<vmem>>, vector<1x16xi32>,
      %swap3A_538 = vector.shape_cast %swap3A_537 : vector<1x16xi32> to vector<16xi32>
      %swap3A_539 = vector.shape_cast %add3A_534 : vector<16xi32> to vector<1x16xi32>
      tpu.vector_store %arg8[%swap3A_535, %swap3A_536], %swap3A_539 {strides = array<i32>} : memref<16x128xi32, #tpu.memory_space<vmem>>, vector<1x16xi32>,
      %mul3A_540 = arith.constant 8 : i32
      %mul3A_541 = arith.muli %scan3A_105, %mul3A_540 : i32
      %add3A_542 = arith.constant 6 : i32
      %add3A_543 = arith.addi %mul3A_541, %add3A_542 : i32
      %mul3A_544 = arith.constant 4 : i32
      %mul3A_545 = arith.muli %add3A, %mul3A_544 : i32
      %jit3A_546 = arith.constant 32 : i32
      %div3A_547 = arith.divsi %add3A_543, %jit3A_546 : i32
      %sign3A_548 = arith.constant 0 : i32
      %sign3A_549 = arith.cmpi sgt, %add3A_543, %sign3A_548 : i32
      %sign3A_550 = arith.extui %sign3A_549 : i1 to i32
      %sign3A_551 = arith.constant 0 : i32
      %sign3A_552 = arith.cmpi slt, %add3A_543, %sign3A_551 : i32
      %sign3A_553 = arith.extui %sign3A_552 : i1 to i32
      %sign3A_554 = arith.subi %sign3A_550, %sign3A_553 : i32
      %sign3A_555 = arith.constant 0 : i32
      %sign3A_556 = arith.cmpi sgt, %jit3A_546, %sign3A_555 : i32
      %sign3A_557 = arith.extui %sign3A_556 : i1 to i32
      %sign3A_558 = arith.constant 0 : i32
      %sign3A_559 = arith.cmpi slt, %jit3A_546, %sign3A_558 : i32
      %sign3A_560 = arith.extui %sign3A_559 : i1 to i32
      %sign3A_561 = arith.subi %sign3A_557, %sign3A_560 : i32
      %ne3A_562 = arith.cmpi ne, %sign3A_554, %sign3A_561 : i32
      %rem3A_563 = arith.remsi %add3A_543, %jit3A_546 : i32
      %ne3A_564 = arith.constant 0 : i32
      %ne3A_565 = arith.cmpi ne, %rem3A_563, %ne3A_564 : i32
      %and3A_566 = arith.andi %ne3A_562, %ne3A_565 : i1
      %sub3A_567 = arith.constant 1 : i32
      %sub3A_568 = arith.subi %div3A_547, %sub3A_567 : i32
      %select_n3A_569 = arith.select %and3A_566, %sub3A_568, %div3A_547 : i32
      %add3A_570 = arith.addi %mul3A_545, %select_n3A_569 : i32
      %mul3A_571 = arith.constant 16 : i32
      %mul3A_572 = arith.muli %add3A_543, %mul3A_571 : i32
      %get3A_573 = arith.index_cast %mul3A_572 : i32 to index
      %get3A_574 = tpu.vector_load %arg6[%get3A_573] {strides = array<i32>} : memref<2048xi32, #tpu.memory_space<vmem>>, vector<16xi32>,
      %get3A_575 = vector.shape_cast %get3A_574 : vector<16xi32> to vector<16xi32>
      %mul3A_576 = arith.constant 16 : i32
      %mul3A_577 = arith.muli %add3A_543, %mul3A_576 : i32
      %get3A_578 = arith.index_cast %mul3A_577 : i32 to index
      %get3A_579 = tpu.vector_load %arg7[%get3A_578] {strides = array<i32>} : memref<2048xi32, #tpu.memory_space<vmem>>, vector<16xi32>,
      %get3A_580 = vector.shape_cast %get3A_579 : vector<16xi32> to vector<16xi32>
      %shift_right_arithmetic3A_581 = arith.constant 3 : i32
      %shift_right_arithmetic3A_582 = vector.broadcast %shift_right_arithmetic3A_581 : i32 to vector<16xi32>
      %shift_right_arithmetic3A_583 = arith.shrsi %get3A_575, %shift_right_arithmetic3A_582 : vector<16xi32>
      %mul3A_584 = arith.constant 4096 : i32
      %mul3A_585 = vector.broadcast %mul3A_584 : i32 to vector<16xi32>
      %mul3A_586 = arith.muli %shift_right_arithmetic3A_583, %mul3A_585 : vector<16xi32>
      %shift_right_arithmetic3A_587 = arith.constant 7 : i32
      %shift_right_arithmetic3A_588 = vector.broadcast %shift_right_arithmetic3A_587 : i32 to vector<16xi32>
      %shift_right_arithmetic3A_589 = arith.shrsi %get3A_580, %shift_right_arithmetic3A_588 : vector<16xi32>
      %mul3A_590 = arith.constant 1024 : i32
      %mul3A_591 = vector.broadcast %mul3A_590 : i32 to vector<16xi32>
      %mul3A_592 = arith.muli %shift_right_arithmetic3A_589, %mul3A_591 : vector<16xi32>
      %add3A_593 = arith.addi %mul3A_586, %mul3A_592 : vector<16xi32>
      %and3A_594 = arith.constant 7 : i32
      %and3A_595 = vector.broadcast %and3A_594 : i32 to vector<16xi32>
      %and3A_596 = arith.andi %get3A_575, %and3A_595 : vector<16xi32>
      %mul3A_597 = arith.constant 128 : i32
      %mul3A_598 = vector.broadcast %mul3A_597 : i32 to vector<16xi32>
      %mul3A_599 = arith.muli %and3A_596, %mul3A_598 : vector<16xi32>
      %add3A_600 = arith.addi %add3A_593, %mul3A_599 : vector<16xi32>
      %and3A_601 = arith.constant 127 : i32
      %and3A_602 = vector.broadcast %and3A_601 : i32 to vector<16xi32>
      %and3A_603 = arith.andi %get3A_580, %and3A_602 : vector<16xi32>
      %add3A_604 = arith.addi %add3A_600, %and3A_603 : vector<16xi32>
      %mul3A_605 = arith.constant 262144 : i32
      %mul3A_606 = arith.muli %add3A_570, %mul3A_605 : i32
      %add3A_607 = vector.broadcast %mul3A_606 : i32 to vector<16xi32>
      %add3A_608 = arith.addi %add3A_604, %add3A_607 : vector<16xi32>
      %swap3A_609 = arith.index_cast %scan3A_105 : i32 to index
      %swap3A_610 = arith.constant 96 : index
      %swap3A_611 = tpu.vector_load %arg8[%swap3A_609, %swap3A_610] {strides = array<i32>} : memref<16x128xi32, #tpu.memory_space<vmem>>, vector<1x16xi32>,
      %swap3A_612 = vector.shape_cast %swap3A_611 : vector<1x16xi32> to vector<16xi32>
      %swap3A_613 = vector.shape_cast %add3A_608 : vector<16xi32> to vector<1x16xi32>
      tpu.vector_store %arg8[%swap3A_609, %swap3A_610], %swap3A_613 {strides = array<i32>} : memref<16x128xi32, #tpu.memory_space<vmem>>, vector<1x16xi32>,
      %mul3A_614 = arith.constant 8 : i32
      %mul3A_615 = arith.muli %scan3A_105, %mul3A_614 : i32
      %add3A_616 = arith.constant 7 : i32
      %add3A_617 = arith.addi %mul3A_615, %add3A_616 : i32
      %mul3A_618 = arith.constant 4 : i32
      %mul3A_619 = arith.muli %add3A, %mul3A_618 : i32
      %jit3A_620 = arith.constant 32 : i32
      %div3A_621 = arith.divsi %add3A_617, %jit3A_620 : i32
      %sign3A_622 = arith.constant 0 : i32
      %sign3A_623 = arith.cmpi sgt, %add3A_617, %sign3A_622 : i32
      %sign3A_624 = arith.extui %sign3A_623 : i1 to i32
      %sign3A_625 = arith.constant 0 : i32
      %sign3A_626 = arith.cmpi slt, %add3A_617, %sign3A_625 : i32
      %sign3A_627 = arith.extui %sign3A_626 : i1 to i32
      %sign3A_628 = arith.subi %sign3A_624, %sign3A_627 : i32
      %sign3A_629 = arith.constant 0 : i32
      %sign3A_630 = arith.cmpi sgt, %jit3A_620, %sign3A_629 : i32
      %sign3A_631 = arith.extui %sign3A_630 : i1 to i32
      %sign3A_632 = arith.constant 0 : i32
      %sign3A_633 = arith.cmpi slt, %jit3A_620, %sign3A_632 : i32
      %sign3A_634 = arith.extui %sign3A_633 : i1 to i32
      %sign3A_635 = arith.subi %sign3A_631, %sign3A_634 : i32
      %ne3A_636 = arith.cmpi ne, %sign3A_628, %sign3A_635 : i32
      %rem3A_637 = arith.remsi %add3A_617, %jit3A_620 : i32
      %ne3A_638 = arith.constant 0 : i32
      %ne3A_639 = arith.cmpi ne, %rem3A_637, %ne3A_638 : i32
      %and3A_640 = arith.andi %ne3A_636, %ne3A_639 : i1
      %sub3A_641 = arith.constant 1 : i32
      %sub3A_642 = arith.subi %div3A_621, %sub3A_641 : i32
      %select_n3A_643 = arith.select %and3A_640, %sub3A_642, %div3A_621 : i32
      %add3A_644 = arith.addi %mul3A_619, %select_n3A_643 : i32
      %mul3A_645 = arith.constant 16 : i32
      %mul3A_646 = arith.muli %add3A_617, %mul3A_645 : i32
      %get3A_647 = arith.index_cast %mul3A_646 : i32 to index
      %get3A_648 = tpu.vector_load %arg6[%get3A_647] {strides = array<i32>} : memref<2048xi32, #tpu.memory_space<vmem>>, vector<16xi32>,
      %get3A_649 = vector.shape_cast %get3A_648 : vector<16xi32> to vector<16xi32>
      %mul3A_650 = arith.constant 16 : i32
      %mul3A_651 = arith.muli %add3A_617, %mul3A_650 : i32
      %get3A_652 = arith.index_cast %mul3A_651 : i32 to index
      %get3A_653 = tpu.vector_load %arg7[%get3A_652] {strides = array<i32>} : memref<2048xi32, #tpu.memory_space<vmem>>, vector<16xi32>,
      %get3A_654 = vector.shape_cast %get3A_653 : vector<16xi32> to vector<16xi32>
      %shift_right_arithmetic3A_655 = arith.constant 3 : i32
      %shift_right_arithmetic3A_656 = vector.broadcast %shift_right_arithmetic3A_655 : i32 to vector<16xi32>
      %shift_right_arithmetic3A_657 = arith.shrsi %get3A_649, %shift_right_arithmetic3A_656 : vector<16xi32>
      %mul3A_658 = arith.constant 4096 : i32
      %mul3A_659 = vector.broadcast %mul3A_658 : i32 to vector<16xi32>
      %mul3A_660 = arith.muli %shift_right_arithmetic3A_657, %mul3A_659 : vector<16xi32>
      %shift_right_arithmetic3A_661 = arith.constant 7 : i32
      %shift_right_arithmetic3A_662 = vector.broadcast %shift_right_arithmetic3A_661 : i32 to vector<16xi32>
      %shift_right_arithmetic3A_663 = arith.shrsi %get3A_654, %shift_right_arithmetic3A_662 : vector<16xi32>
      %mul3A_664 = arith.constant 1024 : i32
      %mul3A_665 = vector.broadcast %mul3A_664 : i32 to vector<16xi32>
      %mul3A_666 = arith.muli %shift_right_arithmetic3A_663, %mul3A_665 : vector<16xi32>
      %add3A_667 = arith.addi %mul3A_660, %mul3A_666 : vector<16xi32>
      %and3A_668 = arith.constant 7 : i32
      %and3A_669 = vector.broadcast %and3A_668 : i32 to vector<16xi32>
      %and3A_670 = arith.andi %get3A_649, %and3A_669 : vector<16xi32>
      %mul3A_671 = arith.constant 128 : i32
      %mul3A_672 = vector.broadcast %mul3A_671 : i32 to vector<16xi32>
      %mul3A_673 = arith.muli %and3A_670, %mul3A_672 : vector<16xi32>
      %add3A_674 = arith.addi %add3A_667, %mul3A_673 : vector<16xi32>
      %and3A_675 = arith.constant 127 : i32
      %and3A_676 = vector.broadcast %and3A_675 : i32 to vector<16xi32>
      %and3A_677 = arith.andi %get3A_654, %and3A_676 : vector<16xi32>
      %add3A_678 = arith.addi %add3A_674, %and3A_677 : vector<16xi32>
      %mul3A_679 = arith.constant 262144 : i32
      %mul3A_680 = arith.muli %add3A_644, %mul3A_679 : i32
      %add3A_681 = vector.broadcast %mul3A_680 : i32 to vector<16xi32>
      %add3A_682 = arith.addi %add3A_678, %add3A_681 : vector<16xi32>
      %swap3A_683 = arith.index_cast %scan3A_105 : i32 to index
      %swap3A_684 = arith.constant 112 : index
      %swap3A_685 = tpu.vector_load %arg8[%swap3A_683, %swap3A_684] {strides = array<i32>} : memref<16x128xi32, #tpu.memory_space<vmem>>, vector<1x16xi32>,
      %swap3A_686 = vector.shape_cast %swap3A_685 : vector<1x16xi32> to vector<16xi32>
      %swap3A_687 = vector.shape_cast %add3A_682 : vector<16xi32> to vector<1x16xi32>
      tpu.vector_store %arg8[%swap3A_683, %swap3A_684], %swap3A_687 {strides = array<i32>} : memref<16x128xi32, #tpu.memory_space<vmem>>, vector<1x16xi32>,
      %jit3A_688 = arith.constant 8 : i32
      %div3A_689 = arith.divsi %scan3A_105, %jit3A_688 : i32
      %sign3A_690 = arith.constant 0 : i32
      %sign3A_691 = arith.cmpi sgt, %scan3A_105, %sign3A_690 : i32
      %sign3A_692 = arith.extui %sign3A_691 : i1 to i32
      %sign3A_693 = arith.constant 0 : i32
      %sign3A_694 = arith.cmpi slt, %scan3A_105, %sign3A_693 : i32
      %sign3A_695 = arith.extui %sign3A_694 : i1 to i32
      %sign3A_696 = arith.subi %sign3A_692, %sign3A_695 : i32
      %sign3A_697 = arith.constant 0 : i32
      %sign3A_698 = arith.cmpi sgt, %jit3A_688, %sign3A_697 : i32
      %sign3A_699 = arith.extui %sign3A_698 : i1 to i32
      %sign3A_700 = arith.constant 0 : i32
      %sign3A_701 = arith.cmpi slt, %jit3A_688, %sign3A_700 : i32
      %sign3A_702 = arith.extui %sign3A_701 : i1 to i32
      %sign3A_703 = arith.subi %sign3A_699, %sign3A_702 : i32
      %ne3A_704 = arith.cmpi ne, %sign3A_696, %sign3A_703 : i32
      %rem3A_705 = arith.remsi %scan3A_105, %jit3A_688 : i32
      %ne3A_706 = arith.constant 0 : i32
      %ne3A_707 = arith.cmpi ne, %rem3A_705, %ne3A_706 : i32
      %and3A_708 = arith.andi %ne3A_704, %ne3A_707 : i1
      %sub3A_709 = arith.constant 1 : i32
      %sub3A_710 = arith.subi %div3A_689, %sub3A_709 : i32
      %select_n3A_711 = arith.select %and3A_708, %sub3A_710, %div3A_689 : i32
      %jit3A_712 = arith.constant 8 : i32
      %eq3A = arith.constant 0 : i32
      %eq3A_713 = arith.cmpi eq, %jit3A_712, %eq3A : i32
      %jit3A_714 = arith.constant 1 : i32
      %select_n3A_715 = arith.select %eq3A_713, %jit3A_714, %jit3A_712 : i32
      %rem3A_716 = arith.remsi %scan3A_105, %select_n3A_715 : i32
      %ne3A_717 = arith.constant 0 : i32
      %ne3A_718 = arith.cmpi ne, %rem3A_716, %ne3A_717 : i32
      %lt3A = arith.constant 0 : i32
      %lt3A_719 = arith.cmpi slt, %rem3A_716, %lt3A : i32
      %lt3A_720 = arith.constant 0 : i32
      %lt3A_721 = arith.cmpi slt, %select_n3A_715, %lt3A_720 : i32
      %ne3A_722 = arith.xori %lt3A_719, %lt3A_721 : i1
      %and3A_723 = arith.andi %ne3A_722, %ne3A_718 : i1
      %add3A_724 = arith.addi %rem3A_716, %select_n3A_715 : i32
      %select_n3A_725 = arith.select %and3A_723, %add3A_724, %rem3A_716 : i32
      %mul3A_726 = arith.constant 128 : i32
      %mul3A_727 = arith.muli %select_n3A_725, %mul3A_726 : i32
      %dma_start3A_728 = tpu.memref_slice %arg9[%select_n3A_711, %mul3A_727] : memref<2x1024xf32, #tpu.memory_space<vmem>> -> memref<1x128xf32, #tpu.memory_space<vmem>>
      %dma_start3A_729 = tpu.memref_squeeze %dma_start3A_728 : memref<1x128xf32, #tpu.memory_space<vmem>> -> memref<128xf32, #tpu.memory_space<vmem>>
      %dma_start3A_730 = arith.constant 0 : i32
      %dma_start3A_731 = tpu.memref_slice %arg8[%scan3A_105, %dma_start3A_730] : memref<16x128xi32, #tpu.memory_space<vmem>> -> memref<1x128xi32, #tpu.memory_space<vmem>>
      %dma_start3A_732 = tpu.memref_squeeze %dma_start3A_731 : memref<1x128xi32, #tpu.memory_space<vmem>> -> memref<128xi32, #tpu.memory_space<vmem>>
      %dma_start3A_733 = arith.constant 0 : i32
      %dma_start3A_734 = tpu.memref_slice %arg2[%dma_start3A_733] : memref<33554432xf32, #tpu.memory_space<hbm>> -> memref<33554432xf32, #tpu.memory_space<hbm>>
      tpu.enqueue_indirect_dma source(%dma_start3A_734 : memref<33554432xf32, #tpu.memory_space<hbm>>) target(%dma_start3A_729 : memref<128xf32, #tpu.memory_space<vmem>>) offsets(%dma_start3A_732 : memref<128xi32, #tpu.memory_space<vmem>>) semaphore(%arg13 : memref<!tpu.dma_semaphore, #tpu.memory_space<semaphore_mem>>)
    }
    %scan3A_63 = arith.constant 8 : i32
    %broadcast_in_dim3A = arith.constant 0.000000e+00 : f32
    %broadcast_in_dim3A_64 = vector.broadcast %broadcast_in_dim3A : f32 to vector<16xf32>
    %dma_wait3A_65 = arith.constant 0 : i32
    %dma_wait3A_66 = arith.constant 0 : i32
    %dma_wait3A_67 = tpu.memref_slice %arg9[%dma_wait3A_65, %dma_wait3A_66] : memref<2x1024xf32, #tpu.memory_space<vmem>> -> memref<1x1024xf32, #tpu.memory_space<vmem>>
    %dma_wait3A_68 = tpu.memref_squeeze %dma_wait3A_67 : memref<1x1024xf32, #tpu.memory_space<vmem>> -> memref<1024xf32, #tpu.memory_space<vmem>>
    %dma_wait3A_69 = arith.constant 0 : i32
    %dma_wait3A_70 = tpu.memref_slice %arg2[%dma_wait3A_69] : memref<33554432xf32, #tpu.memory_space<hbm>> -> memref<1024xf32, #tpu.memory_space<hbm>>
    %dma_wait3A_71 = arith.constant 0 : i32
    %dma_wait3A_72 = tpu.memref_slice %arg9[%dma_wait3A_65, %dma_wait3A_71] : memref<2x1024xf32, #tpu.memory_space<vmem>> -> memref<1x1024xf32, #tpu.memory_space<vmem>>
    %dma_wait3A_73 = tpu.memref_squeeze %dma_wait3A_72 : memref<1x1024xf32, #tpu.memory_space<vmem>> -> memref<1024xf32, #tpu.memory_space<vmem>>
    %dma_wait3A_74 = arith.constant 0 : i32
    %dma_wait3A_75 = tpu.memref_slice %arg2[%dma_wait3A_74] : memref<33554432xf32, #tpu.memory_space<hbm>> -> memref<1024xf32, #tpu.memory_space<hbm>>
    tpu.wait_dma2 semaphore(%arg12 : memref<!tpu.dma_semaphore, #tpu.memory_space<semaphore_mem>>) src(%dma_wait3A_75 : memref<1024xf32, #tpu.memory_space<hbm>>) dst(%dma_wait3A_73 : memref<1024xf32, #tpu.memory_space<vmem>>)
    %scan3A_76 = arith.constant 0 : i32
    %scan3A_77 = arith.constant 8 : i32
    %scan3A_78 = arith.addi %scan3A_76, %scan3A_77 : i32
    %scan3A_79 = arith.constant 1 : i32
    %scan3A_80:4 = scf.for %scan3A_105 = %scan3A_76 to %scan3A_78 step %scan3A_79 iter_args(%scan3A_106 = %broadcast_in_dim3A_64, %scan3A_107 = %broadcast_in_dim3A_64, %scan3A_108 = %broadcast_in_dim3A_64, %scan3A_109 = %broadcast_in_dim3A_64) -> (vector<16xf32>, vector<16xf32>, vector<16xf32>, vector<16xf32>)  : i32 {
      %jit3A = arith.constant 8 : i32
      %div3A = arith.divsi %scan3A_105, %jit3A : i32
      %sign3A = arith.constant 0 : i32
      %sign3A_110 = arith.cmpi sgt, %scan3A_105, %sign3A : i32
      %sign3A_111 = arith.extui %sign3A_110 : i1 to i32
      %sign3A_112 = arith.constant 0 : i32
      %sign3A_113 = arith.cmpi slt, %scan3A_105, %sign3A_112 : i32
      %sign3A_114 = arith.extui %sign3A_113 : i1 to i32
      %sign3A_115 = arith.subi %sign3A_111, %sign3A_114 : i32
      %sign3A_116 = arith.constant 0 : i32
      %sign3A_117 = arith.cmpi sgt, %jit3A, %sign3A_116 : i32
      %sign3A_118 = arith.extui %sign3A_117 : i1 to i32
      %sign3A_119 = arith.constant 0 : i32
      %sign3A_120 = arith.cmpi slt, %jit3A, %sign3A_119 : i32
      %sign3A_121 = arith.extui %sign3A_120 : i1 to i32
      %sign3A_122 = arith.subi %sign3A_118, %sign3A_121 : i32
      %ne3A = arith.cmpi ne, %sign3A_115, %sign3A_122 : i32
      %rem3A = arith.remsi %scan3A_105, %jit3A : i32
      %ne3A_123 = arith.constant 0 : i32
      %ne3A_124 = arith.cmpi ne, %rem3A, %ne3A_123 : i32
      %and3A = arith.andi %ne3A, %ne3A_124 : i1
      %sub3A = arith.constant 1 : i32
      %sub3A_125 = arith.subi %div3A, %sub3A : i32
      %select_n3A = arith.select %and3A, %sub3A_125, %div3A : i32
      %jit3A_126 = arith.constant 8 : i32
      %eq3A = arith.constant 0 : i32
      %eq3A_127 = arith.cmpi eq, %jit3A_126, %eq3A : i32
      %jit3A_128 = arith.constant 1 : i32
      %select_n3A_129 = arith.select %eq3A_127, %jit3A_128, %jit3A_126 : i32
      %rem3A_130 = arith.remsi %scan3A_105, %select_n3A_129 : i32
      %ne3A_131 = arith.constant 0 : i32
      %ne3A_132 = arith.cmpi ne, %rem3A_130, %ne3A_131 : i32
      %lt3A = arith.constant 0 : i32
      %lt3A_133 = arith.cmpi slt, %rem3A_130, %lt3A : i32
      %lt3A_134 = arith.constant 0 : i32
      %lt3A_135 = arith.cmpi slt, %select_n3A_129, %lt3A_134 : i32
      %ne3A_136 = arith.xori %lt3A_133, %lt3A_135 : i1
      %and3A_137 = arith.andi %ne3A_136, %ne3A_132 : i1
      %add3A_138 = arith.addi %rem3A_130, %select_n3A_129 : i32
      %select_n3A_139 = arith.select %and3A_137, %add3A_138, %rem3A_130 : i32
      %mul3A_140 = arith.constant 128 : i32
      %mul3A_141 = arith.muli %select_n3A_139, %mul3A_140 : i32
      %add3A_142 = arith.constant 0 : i32
      %add3A_143 = arith.addi %mul3A_141, %add3A_142 : i32
      %get3A = arith.index_cast %select_n3A : i32 to index
      %get3A_144 = arith.index_cast %add3A_143 : i32 to index
      %get3A_145 = tpu.vector_load %arg9[%get3A, %get3A_144] {strides = array<i32>} : memref<2x1024xf32, #tpu.memory_space<vmem>>, vector<1x16xf32>,
      %get3A_146 = vector.shape_cast %get3A_145 : vector<1x16xf32> to vector<16xf32>
      %add3A_147 = arith.addf %scan3A_106, %get3A_146 : vector<16xf32>
      %add3A_148 = arith.constant 64 : i32
      %add3A_149 = arith.addi %mul3A_141, %add3A_148 : i32
      %get3A_150 = arith.index_cast %select_n3A : i32 to index
      %get3A_151 = arith.index_cast %add3A_149 : i32 to index
      %get3A_152 = tpu.vector_load %arg9[%get3A_150, %get3A_151] {strides = array<i32>} : memref<2x1024xf32, #tpu.memory_space<vmem>>, vector<1x16xf32>,
      %get3A_153 = vector.shape_cast %get3A_152 : vector<1x16xf32> to vector<16xf32>
      %add3A_154 = arith.addf %add3A_147, %get3A_153 : vector<16xf32>
      %add3A_155 = arith.constant 16 : i32
      %add3A_156 = arith.addi %mul3A_141, %add3A_155 : i32
      %get3A_157 = arith.index_cast %select_n3A : i32 to index
      %get3A_158 = arith.index_cast %add3A_156 : i32 to index
      %get3A_159 = tpu.vector_load %arg9[%get3A_157, %get3A_158] {strides = array<i32>} : memref<2x1024xf32, #tpu.memory_space<vmem>>, vector<1x16xf32>,
      %get3A_160 = vector.shape_cast %get3A_159 : vector<1x16xf32> to vector<16xf32>
      %add3A_161 = arith.addf %scan3A_107, %get3A_160 : vector<16xf32>
      %add3A_162 = arith.constant 80 : i32
      %add3A_163 = arith.addi %mul3A_141, %add3A_162 : i32
      %get3A_164 = arith.index_cast %select_n3A : i32 to index
      %get3A_165 = arith.index_cast %add3A_163 : i32 to index
      %get3A_166 = tpu.vector_load %arg9[%get3A_164, %get3A_165] {strides = array<i32>} : memref<2x1024xf32, #tpu.memory_space<vmem>>, vector<1x16xf32>,
      %get3A_167 = vector.shape_cast %get3A_166 : vector<1x16xf32> to vector<16xf32>
      %add3A_168 = arith.addf %add3A_161, %get3A_167 : vector<16xf32>
      %add3A_169 = arith.constant 32 : i32
      %add3A_170 = arith.addi %mul3A_141, %add3A_169 : i32
      %get3A_171 = arith.index_cast %select_n3A : i32 to index
      %get3A_172 = arith.index_cast %add3A_170 : i32 to index
      %get3A_173 = tpu.vector_load %arg9[%get3A_171, %get3A_172] {strides = array<i32>} : memref<2x1024xf32, #tpu.memory_space<vmem>>, vector<1x16xf32>,
      %get3A_174 = vector.shape_cast %get3A_173 : vector<1x16xf32> to vector<16xf32>
      %add3A_175 = arith.addf %scan3A_108, %get3A_174 : vector<16xf32>
      %add3A_176 = arith.constant 96 : i32
      %add3A_177 = arith.addi %mul3A_141, %add3A_176 : i32
      %get3A_178 = arith.index_cast %select_n3A : i32 to index
      %get3A_179 = arith.index_cast %add3A_177 : i32 to index
      %get3A_180 = tpu.vector_load %arg9[%get3A_178, %get3A_179] {strides = array<i32>} : memref<2x1024xf32, #tpu.memory_space<vmem>>, vector<1x16xf32>,
      %get3A_181 = vector.shape_cast %get3A_180 : vector<1x16xf32> to vector<16xf32>
      %add3A_182 = arith.addf %add3A_175, %get3A_181 : vector<16xf32>
      %add3A_183 = arith.constant 48 : i32
      %add3A_184 = arith.addi %mul3A_141, %add3A_183 : i32
      %get3A_185 = arith.index_cast %select_n3A : i32 to index
      %get3A_186 = arith.index_cast %add3A_184 : i32 to index
      %get3A_187 = tpu.vector_load %arg9[%get3A_185, %get3A_186] {strides = array<i32>} : memref<2x1024xf32, #tpu.memory_space<vmem>>, vector<1x16xf32>,
      %get3A_188 = vector.shape_cast %get3A_187 : vector<1x16xf32> to vector<16xf32>
      %add3A_189 = arith.addf %scan3A_109, %get3A_188 : vector<16xf32>
      %add3A_190 = arith.constant 112 : i32
      %add3A_191 = arith.addi %mul3A_141, %add3A_190 : i32
      %get3A_192 = arith.index_cast %select_n3A : i32 to index
      %get3A_193 = arith.index_cast %add3A_191 : i32 to index
      %get3A_194 = tpu.vector_load %arg9[%get3A_192, %get3A_193] {strides = array<i32>} : memref<2x1024xf32, #tpu.memory_space<vmem>>, vector<1x16xf32>,
      %get3A_195 = vector.shape_cast %get3A_194 : vector<1x16xf32> to vector<16xf32>
      %add3A_196 = arith.addf %add3A_189, %get3A_195 : vector<16xf32>
      scf.yield %add3A_154, %add3A_168, %add3A_182, %add3A_196 : vector<16xf32>, vector<16xf32>, vector<16xf32>, vector<16xf32>
    }
    %scan3A_81 = arith.constant 8 : i32
    %dma_wait3A_82 = arith.constant 1 : i32
    %dma_wait3A_83 = arith.constant 0 : i32
    %dma_wait3A_84 = tpu.memref_slice %arg9[%dma_wait3A_82, %dma_wait3A_83] : memref<2x1024xf32, #tpu.memory_space<vmem>> -> memref<1x1024xf32, #tpu.memory_space<vmem>>
    %dma_wait3A_85 = tpu.memref_squeeze %dma_wait3A_84 : memref<1x1024xf32, #tpu.memory_space<vmem>> -> memref<1024xf32, #tpu.memory_space<vmem>>
    %dma_wait3A_86 = arith.constant 0 : i32
    %dma_wait3A_87 = tpu.memref_slice %arg2[%dma_wait3A_86] : memref<33554432xf32, #tpu.memory_space<hbm>> -> memref<1024xf32, #tpu.memory_space<hbm>>
    %dma_wait3A_88 = arith.constant 0 : i32
    %dma_wait3A_89 = tpu.memref_slice %arg9[%dma_wait3A_82, %dma_wait3A_88] : memref<2x1024xf32, #tpu.memory_space<vmem>> -> memref<1x1024xf32, #tpu.memory_space<vmem>>
    %dma_wait3A_90 = tpu.memref_squeeze %dma_wait3A_89 : memref<1x1024xf32, #tpu.memory_space<vmem>> -> memref<1024xf32, #tpu.memory_space<vmem>>
    %dma_wait3A_91 = arith.constant 0 : i32
    %dma_wait3A_92 = tpu.memref_slice %arg2[%dma_wait3A_91] : memref<33554432xf32, #tpu.memory_space<hbm>> -> memref<1024xf32, #tpu.memory_space<hbm>>
    tpu.wait_dma2 semaphore(%arg13 : memref<!tpu.dma_semaphore, #tpu.memory_space<semaphore_mem>>) src(%dma_wait3A_92 : memref<1024xf32, #tpu.memory_space<hbm>>) dst(%dma_wait3A_90 : memref<1024xf32, #tpu.memory_space<vmem>>)
    %scan3A_93 = arith.constant 8 : i32
    %scan3A_94 = arith.constant 8 : i32
    %scan3A_95 = arith.addi %scan3A_93, %scan3A_94 : i32
    %scan3A_96 = arith.constant 1 : i32
    %scan3A_97:4 = scf.for %scan3A_105 = %scan3A_93 to %scan3A_95 step %scan3A_96 iter_args(%scan3A_106 = %scan3A_80#0, %scan3A_107 = %scan3A_80#1, %scan3A_108 = %scan3A_80#2, %scan3A_109 = %scan3A_80#3) -> (vector<16xf32>, vector<16xf32>, vector<16xf32>, vector<16xf32>)  : i32 {
      %jit3A = arith.constant 8 : i32
      %div3A = arith.divsi %scan3A_105, %jit3A : i32
      %sign3A = arith.constant 0 : i32
      %sign3A_110 = arith.cmpi sgt, %scan3A_105, %sign3A : i32
      %sign3A_111 = arith.extui %sign3A_110 : i1 to i32
      %sign3A_112 = arith.constant 0 : i32
      %sign3A_113 = arith.cmpi slt, %scan3A_105, %sign3A_112 : i32
      %sign3A_114 = arith.extui %sign3A_113 : i1 to i32
      %sign3A_115 = arith.subi %sign3A_111, %sign3A_114 : i32
      %sign3A_116 = arith.constant 0 : i32
      %sign3A_117 = arith.cmpi sgt, %jit3A, %sign3A_116 : i32
      %sign3A_118 = arith.extui %sign3A_117 : i1 to i32
      %sign3A_119 = arith.constant 0 : i32
      %sign3A_120 = arith.cmpi slt, %jit3A, %sign3A_119 : i32
      %sign3A_121 = arith.extui %sign3A_120 : i1 to i32
      %sign3A_122 = arith.subi %sign3A_118, %sign3A_121 : i32
      %ne3A = arith.cmpi ne, %sign3A_115, %sign3A_122 : i32
      %rem3A = arith.remsi %scan3A_105, %jit3A : i32
      %ne3A_123 = arith.constant 0 : i32
      %ne3A_124 = arith.cmpi ne, %rem3A, %ne3A_123 : i32
      %and3A = arith.andi %ne3A, %ne3A_124 : i1
      %sub3A = arith.constant 1 : i32
      %sub3A_125 = arith.subi %div3A, %sub3A : i32
      %select_n3A = arith.select %and3A, %sub3A_125, %div3A : i32
      %jit3A_126 = arith.constant 8 : i32
      %eq3A = arith.constant 0 : i32
      %eq3A_127 = arith.cmpi eq, %jit3A_126, %eq3A : i32
      %jit3A_128 = arith.constant 1 : i32
      %select_n3A_129 = arith.select %eq3A_127, %jit3A_128, %jit3A_126 : i32
      %rem3A_130 = arith.remsi %scan3A_105, %select_n3A_129 : i32
      %ne3A_131 = arith.constant 0 : i32
      %ne3A_132 = arith.cmpi ne, %rem3A_130, %ne3A_131 : i32
      %lt3A = arith.constant 0 : i32
      %lt3A_133 = arith.cmpi slt, %rem3A_130, %lt3A : i32
      %lt3A_134 = arith.constant 0 : i32
      %lt3A_135 = arith.cmpi slt, %select_n3A_129, %lt3A_134 : i32
      %ne3A_136 = arith.xori %lt3A_133, %lt3A_135 : i1
      %and3A_137 = arith.andi %ne3A_136, %ne3A_132 : i1
      %add3A_138 = arith.addi %rem3A_130, %select_n3A_129 : i32
      %select_n3A_139 = arith.select %and3A_137, %add3A_138, %rem3A_130 : i32
      %mul3A_140 = arith.constant 128 : i32
      %mul3A_141 = arith.muli %select_n3A_139, %mul3A_140 : i32
      %add3A_142 = arith.constant 0 : i32
      %add3A_143 = arith.addi %mul3A_141, %add3A_142 : i32
      %get3A = arith.index_cast %select_n3A : i32 to index
      %get3A_144 = arith.index_cast %add3A_143 : i32 to index
      %get3A_145 = tpu.vector_load %arg9[%get3A, %get3A_144] {strides = array<i32>} : memref<2x1024xf32, #tpu.memory_space<vmem>>, vector<1x16xf32>,
      %get3A_146 = vector.shape_cast %get3A_145 : vector<1x16xf32> to vector<16xf32>
      %add3A_147 = arith.addf %scan3A_106, %get3A_146 : vector<16xf32>
      %add3A_148 = arith.constant 64 : i32
      %add3A_149 = arith.addi %mul3A_141, %add3A_148 : i32
      %get3A_150 = arith.index_cast %select_n3A : i32 to index
      %get3A_151 = arith.index_cast %add3A_149 : i32 to index
      %get3A_152 = tpu.vector_load %arg9[%get3A_150, %get3A_151] {strides = array<i32>} : memref<2x1024xf32, #tpu.memory_space<vmem>>, vector<1x16xf32>,
      %get3A_153 = vector.shape_cast %get3A_152 : vector<1x16xf32> to vector<16xf32>
      %add3A_154 = arith.addf %add3A_147, %get3A_153 : vector<16xf32>
      %add3A_155 = arith.constant 16 : i32
      %add3A_156 = arith.addi %mul3A_141, %add3A_155 : i32
      %get3A_157 = arith.index_cast %select_n3A : i32 to index
      %get3A_158 = arith.index_cast %add3A_156 : i32 to index
      %get3A_159 = tpu.vector_load %arg9[%get3A_157, %get3A_158] {strides = array<i32>} : memref<2x1024xf32, #tpu.memory_space<vmem>>, vector<1x16xf32>,
      %get3A_160 = vector.shape_cast %get3A_159 : vector<1x16xf32> to vector<16xf32>
      %add3A_161 = arith.addf %scan3A_107, %get3A_160 : vector<16xf32>
      %add3A_162 = arith.constant 80 : i32
      %add3A_163 = arith.addi %mul3A_141, %add3A_162 : i32
      %get3A_164 = arith.index_cast %select_n3A : i32 to index
      %get3A_165 = arith.index_cast %add3A_163 : i32 to index
      %get3A_166 = tpu.vector_load %arg9[%get3A_164, %get3A_165] {strides = array<i32>} : memref<2x1024xf32, #tpu.memory_space<vmem>>, vector<1x16xf32>,
      %get3A_167 = vector.shape_cast %get3A_166 : vector<1x16xf32> to vector<16xf32>
      %add3A_168 = arith.addf %add3A_161, %get3A_167 : vector<16xf32>
      %add3A_169 = arith.constant 32 : i32
      %add3A_170 = arith.addi %mul3A_141, %add3A_169 : i32
      %get3A_171 = arith.index_cast %select_n3A : i32 to index
      %get3A_172 = arith.index_cast %add3A_170 : i32 to index
      %get3A_173 = tpu.vector_load %arg9[%get3A_171, %get3A_172] {strides = array<i32>} : memref<2x1024xf32, #tpu.memory_space<vmem>>, vector<1x16xf32>,
      %get3A_174 = vector.shape_cast %get3A_173 : vector<1x16xf32> to vector<16xf32>
      %add3A_175 = arith.addf %scan3A_108, %get3A_174 : vector<16xf32>
      %add3A_176 = arith.constant 96 : i32
      %add3A_177 = arith.addi %mul3A_141, %add3A_176 : i32
      %get3A_178 = arith.index_cast %select_n3A : i32 to index
      %get3A_179 = arith.index_cast %add3A_177 : i32 to index
      %get3A_180 = tpu.vector_load %arg9[%get3A_178, %get3A_179] {strides = array<i32>} : memref<2x1024xf32, #tpu.memory_space<vmem>>, vector<1x16xf32>,
      %get3A_181 = vector.shape_cast %get3A_180 : vector<1x16xf32> to vector<16xf32>
      %add3A_182 = arith.addf %add3A_175, %get3A_181 : vector<16xf32>
      %add3A_183 = arith.constant 48 : i32
      %add3A_184 = arith.addi %mul3A_141, %add3A_183 : i32
      %get3A_185 = arith.index_cast %select_n3A : i32 to index
      %get3A_186 = arith.index_cast %add3A_184 : i32 to index
      %get3A_187 = tpu.vector_load %arg9[%get3A_185, %get3A_186] {strides = array<i32>} : memref<2x1024xf32, #tpu.memory_space<vmem>>, vector<1x16xf32>,
      %get3A_188 = vector.shape_cast %get3A_187 : vector<1x16xf32> to vector<16xf32>
      %add3A_189 = arith.addf %scan3A_109, %get3A_188 : vector<16xf32>
      %add3A_190 = arith.constant 112 : i32
      %add3A_191 = arith.addi %mul3A_141, %add3A_190 : i32
      %get3A_192 = arith.index_cast %select_n3A : i32 to index
      %get3A_193 = arith.index_cast %add3A_191 : i32 to index
      %get3A_194 = tpu.vector_load %arg9[%get3A_192, %get3A_193] {strides = array<i32>} : memref<2x1024xf32, #tpu.memory_space<vmem>>, vector<1x16xf32>,
      %get3A_195 = vector.shape_cast %get3A_194 : vector<1x16xf32> to vector<16xf32>
      %add3A_196 = arith.addf %add3A_189, %get3A_195 : vector<16xf32>
      scf.yield %add3A_154, %add3A_168, %add3A_182, %add3A_196 : vector<16xf32>, vector<16xf32>, vector<16xf32>, vector<16xf32>
    }
    %scan3A_98 = arith.constant 8 : i32
    %add3A_99 = arith.addf %scan3A_97#0, %scan3A_97#1 : vector<16xf32>
    %add3A_100 = arith.addf %scan3A_97#2, %scan3A_97#3 : vector<16xf32>
    %add3A_101 = arith.addf %add3A_99, %add3A_100 : vector<16xf32>
    %swap3A = arith.constant 0 : index
    %swap3A_102 = tpu.vector_load %arg10[%swap3A] {strides = array<i32>} : memref<16xf32, #tpu.memory_space<vmem>>, vector<16xf32>,
    %swap3A_103 = vector.shape_cast %swap3A_102 : vector<16xf32> to vector<16xf32>
    %swap3A_104 = vector.shape_cast %add3A_101 : vector<16xf32> to vector<16xf32>
    tpu.vector_store %arg10[%swap3A], %swap3A_104 {strides = array<i32>} : memref<16xf32, #tpu.memory_space<vmem>>, vector<16xf32>,
    "tpu.region"() ({
      %run_scoped3A = tpu.sem_alloc : memref<!tpu.dma_semaphore, #tpu.memory_space<semaphore_mem>>
      %dma_start3A_105 = arith.constant 0 : i32
      %dma_start3A_106 = tpu.memref_slice %arg5[%add3A, %dma_start3A_105] : memref<32x16xf32, #tpu.memory_space<hbm>> -> memref<1x16xf32, #tpu.memory_space<hbm>>
      %dma_start3A_107 = tpu.memref_squeeze %dma_start3A_106 : memref<1x16xf32, #tpu.memory_space<hbm>> -> memref<16xf32, #tpu.memory_space<hbm>>
      %dma_start3A_108 = arith.constant 0 : i32
      %dma_start3A_109 = tpu.memref_slice %arg5[%add3A, %dma_start3A_108] : memref<32x16xf32, #tpu.memory_space<hbm>> -> memref<1x16xf32, #tpu.memory_space<hbm>>
      %dma_start3A_110 = tpu.memref_squeeze %dma_start3A_109 : memref<1x16xf32, #tpu.memory_space<hbm>> -> memref<16xf32, #tpu.memory_space<hbm>>
      tpu.enqueue_dma source(%arg10 : memref<16xf32, #tpu.memory_space<vmem>>) target(%dma_start3A_110 : memref<16xf32, #tpu.memory_space<hbm>>) target_semaphore(%run_scoped3A : memref<!tpu.dma_semaphore, #tpu.memory_space<semaphore_mem>>)
      %dma_wait3A_111 = arith.constant 0 : i32
      %dma_wait3A_112 = tpu.memref_slice %arg5[%add3A, %dma_wait3A_111] : memref<32x16xf32, #tpu.memory_space<hbm>> -> memref<1x16xf32, #tpu.memory_space<hbm>>
      %dma_wait3A_113 = tpu.memref_squeeze %dma_wait3A_112 : memref<1x16xf32, #tpu.memory_space<hbm>> -> memref<16xf32, #tpu.memory_space<hbm>>
      %dma_wait3A_114 = arith.constant 0 : i32
      %dma_wait3A_115 = tpu.memref_slice %arg5[%add3A, %dma_wait3A_114] : memref<32x16xf32, #tpu.memory_space<hbm>> -> memref<1x16xf32, #tpu.memory_space<hbm>>
      %dma_wait3A_116 = tpu.memref_squeeze %dma_wait3A_115 : memref<1x16xf32, #tpu.memory_space<hbm>> -> memref<16xf32, #tpu.memory_space<hbm>>
      tpu.wait_dma2 semaphore(%run_scoped3A : memref<!tpu.dma_semaphore, #tpu.memory_space<semaphore_mem>>) src(%arg10 : memref<16xf32, #tpu.memory_space<vmem>>) dst(%dma_wait3A_116 : memref<16xf32, #tpu.memory_space<hbm>>)
      tpu.yield
    }) : () -> ()
    return
  }
}

module attributes {stable_mosaic.version = 14 : i64} {
  func.func @_tc_red_body(%arg0: memref<32x16xf32, #tpu.memory_space<vmem>>, %arg1: memref<1x1xf32, #tpu.memory_space<smem>>) attributes {dimension_semantics = [], scalar_prefetch = 0 : i64, scratch_operands = 0 : i64, tpu.core_type = #tpu.core_type<tc>} {
    %get3A = arith.constant 0 : index
    %get3A_0 = arith.constant 0 : index
    %get3A_1 = vector.load %arg0[%get3A, %get3A_0] : memref<32x16xf32, #tpu.memory_space<vmem>>, vector<32x16xf32>
    %reduce_sum3A = vector.shape_cast %get3A_1 : vector<32x16xf32> to vector<1x32x16xf32>
    %reduce_sum3A_2 = arith.constant dense<0.000000e+00> : vector<1xf32>
    %reduce_sum3A_3 = vector.multi_reduction <add>, %reduce_sum3A, %reduce_sum3A_2 [1, 2] : vector<1x32x16xf32> to vector<1xf32>
    %reduce_sum3A_4 = vector.shape_cast %reduce_sum3A_3 : vector<1xf32> to vector<1x1x1xf32>
    %reduce_sum3A_5 = vector.extract %reduce_sum3A_4[0, 0, 0] : f32 from vector<1x1x1xf32>
    %mul3A = arith.constant 1.52587891E-5 : f32
    %mul3A_6 = arith.mulf %reduce_sum3A_5, %mul3A : f32
    %swap3A = arith.constant 0 : index
    %swap3A_7 = arith.constant 0 : index
    %swap3A_8 = memref.load %arg1[%swap3A, %swap3A_7] : memref<1x1xf32, #tpu.memory_space<smem>>
    memref.store %mul3A_6, %arg1[%swap3A, %swap3A_7] : memref<1x1xf32, #tpu.memory_space<smem>>
    return
  }
}

</mosaic_0001>

<sc_bundles>
// kernel: kernel.4.cloned.1.call-start
scs
__scs_entry_jumppad:
0x0: {  	(pc) =	sbr.rel $0x88, $3  }
0x1: {  	(tag) =	ssettag $0x0;
	lr =	simm.s32 $0x1  }
0x2: {  	[smem:$0x3F9E] =	sst lr;
	_ =	strace $0xD0000000  }
0x3: {  	_ = 	snop  }
0x4: {  	_ = 	snop  }
0x5: {  	_ = 	snop  }
0x6: {  	_ = 	snop  }
0x7: {  	_ = 	snop  }
__scs_overlays_trampoline_lowered:
0x8: {  	[smem:$0x3FAD] =	sst s0  }
0x9: {  	[smem:$0x3FAE] =	sst s1  }
0xa: {  	[smem:$0x3FAF] =	sst s2  }
0xb: {  	[smem:$0x3FB0] =	sst s3  }
0xc: {  	[smem:$0x3FB1] =	sst s4  }
0xd: {  	[smem:$0x3FB2] =	sst s5  }
0xe: {  	[smem:$0x3FB3] =	sst s6  }
0xf: {  	[smem:$0x3FB4] =	sst s7  }
0x10: {  	[smem:$0x3FB5] =	sst s8  }
0x11: {  	[smem:$0x3FB6] =	sst s9;
	s0 =	simm.s32 @!p0 $0x0  }
0x12: {  	s1 =	sld [smem:$0x3F9C];
	s0 =	simm.s32 @p0 $0x1  }
0x13: {  	[smem:$0x3FB7] =	sst s0;
	s0 =	simm.s32 @!p1 $0x0  }
0x14: {  	s2 =	sld [smem:$0x3F9B];
	s0 =	simm.s32 @p1 $0x1  }
0x15: {  	[smem:$0x3FB8] =	sst s0;
	s0 =	simm.s32 @!p2 $0x0  }
0x16: {  	s3 =	sld [smem:$0x3FDB];
	s0 =	simm.s32 @p2 $0x1  }
0x17: {  	s4 =	simm.s32 $0x1BF5;
	[smem:$0x3FBA] =	sst s0  }
0x18: {  	s0 =	sld [smem:$0x3F9D];
	_ =	swait.ge [sflag:s4], $0x0  }
0x19: {  	s7 =	sld [smem:$0x3F9E]  }
0x1a: {  	s8 =	sadd.s32 $0xFFFFE003, lr  }
0x1b: {  	s9 =	sadd.s32 $0xFFFFFEF7, lr;
	s5 =	simm.s32 $0xFFFFFFFF;
	p2 =	slt.u32 s8, $0xFFFFF086  }
0x1c: {  	p1 =	slt.u32 s9, $0xF7A;
	s5 =	simm.s32 @!p2 $0x0  }
0x1d: {  	s5 =	simm.s32 @p1 $0x1;
	p0 =	seq.s32 s7, s2  }
0x1e: {  	s7 =	smul.u32 @!p0 $0xF7A, s2;
	p2 =	seq.s32 @!p0 s5, $0x0  }
0x1f: {  	s9 =	smul.u32 $0xF7A, s1;
	s8 =	simm.s32 @!p0 $0x1BF5;
	p2 =	por !p2, p0  }
0x20: {  	[sflag:s8] =	ssyncset.s32 @!p0 $0xFFFFF086;
	s6 =	sadd.s32 @!p0 s3, s7;
	s7 =	simm.s32 @!p0 $0x108  }
0x21: {  	s3 =	sadd.s32 s3, s9;
	s6 =	sadd.s32 @!p0 $0x88, s6;
	s7 =	simm.s32 @p2 $0x1082  }
0x22: {  	[simem:s7], [sflag:s8] =	dma.local @!p0 [hbm:s6], $0xF7A  }
0x23: {  	s9 =	sor.u32 $0xD0000000, s2;
	s6 =	simm.s32 $0x108;
	_ =	swait.ge @!p0 [sflag:s8], $0x0  }
0x24: {  	s3 =	sadd.s32 $0x88, s3;
	s6 =	simm.s32 @!p1 $0x1082;
	[sflag:s4] =	ssyncset.s32 $0xFFFFF086  }
0x25: {  	[simem:s6], [sflag:s4] =	dma.local [hbm:s3], $0xF7A  }
0x26: {  	[smem:$0x3F9E] =	sst s1;
	(tag) =	ssettag s2;
	_ =	strace s9  }
0x27: {  	s1 =	sld [smem:$0x3FAE]  }
0x28: {  	s2 =	sld [smem:$0x3FAF]  }
0x29: {  	s4 =	sld [smem:$0x3FB1]  }
0x2a: {  	p0 =	seq.s32 s5, $0x0;
	s5 =	sld [smem:$0x3FB2]  }
0x2b: {  	s6 =	sld [smem:$0x3FB3]  }
0x2c: {  	s7 =	sld [smem:$0x3FB4]  }
0x2d: {  	s3 =	simm.s32 $0x108;
	s8 =	sld [smem:$0x3FB5]  }
0x2e: {  	s3 =	simm.s32 @!p0 $0x1082;
	s9 =	sld [smem:$0x3FB6]  }
0x2f: {  	lr =	sadd.s32 s0, s3;
	s0 =	sld [smem:$0x3FAD]  }
0x30: {  	s3 =	sld [smem:$0x3FB0]  }
0x31: {  	[smem:$0x3FB9] =	sst s10  }
0x32: {  	s10 =	sld [smem:$0x3FB7];
	_ =	sdelay $0x3  }
0x33: {  	p0 =	seq.s32 s10, $0x1;
	s10 =	sld [smem:$0x3FB9];
	_ =	sdelay $0x3  }
0x34: {  	[smem:$0x3FB9] =	sst s10  }
0x35: {  	s10 =	sld [smem:$0x3FB8];
	_ =	sdelay $0x3  }
0x36: {  	p1 =	seq.s32 s10, $0x1;
	s10 =	sld [smem:$0x3FB9];
	_ =	sdelay $0x3  }
0x37: {  	[smem:$0x3FB9] =	sst s10  }
0x38: {  	s10 =	sld [smem:$0x3FBA]  }
0x39: {  	_ = 	snop;
	(pc) =	sbr.ind lr, $3  }
0x3a: {  	_ = 	snop  }
0x3b: {  	_ = 	snop  }
0x3c: {  	p2 =	seq.s32 s10, $0x1;
	s10 =	sld [smem:$0x3FB9]  }
0x3d: {  	_ =	shalt  }
0x3e: {  	_ =	shalt  }
0x3f: {  	_ =	shalt  }
0x40: {  	_ =	shalt  }
0x41: {  	_ =	shalt  }
0x42: {  	_ =	shalt  }
0x43: {  	_ =	shalt  }
0x44: {  	_ =	shalt  }
0x45: {  	_ =	shalt  }
0x46: {  	_ =	shalt  }
0x47: {  	_ =	shalt  }
0x48: {  	_ =	shalt  }
0x49: {  	_ =	shalt  }
0x4a: {  	_ =	shalt  }
0x4b: {  	_ =	shalt  }
0x4c: {  	_ =	shalt  }
0x4d: {  	_ =	shalt  }
0x4e: {  	_ =	shalt  }
0x4f: {  	_ =	shalt  }
0x50: {  	_ =	shalt  }
0x51: {  	_ =	shalt  }
0x52: {  	_ =	shalt  }
0x53: {  	_ =	shalt  }
0x54: {  	_ =	shalt  }
0x55: {  	_ =	shalt  }
0x56: {  	_ =	shalt  }
0x57: {  	_ =	shalt  }
0x58: {  	_ =	shalt  }
0x59: {  	_ =	shalt  }
0x5a: {  	_ =	shalt  }
0x5b: {  	_ =	shalt  }
0x5c: {  	_ =	shalt  }
0x5d: {  	_ =	shalt  }
0x5e: {  	_ =	shalt  }
0x5f: {  	_ =	shalt  }
0x60: {  	_ =	shalt  }
0x61: {  	_ =	shalt  }
0x62: {  	_ =	shalt  }
0x63: {  	_ =	shalt  }
0x64: {  	_ =	shalt  }
0x65: {  	_ =	shalt  }
0x66: {  	_ =	shalt  }
0x67: {  	_ =	shalt  }
0x68: {  	_ =	shalt  }
0x69: {  	_ =	shalt  }
0x6a: {  	_ =	shalt  }
0x6b: {  	_ =	shalt  }
0x6c: {  	_ =	shalt  }
0x6d: {  	_ =	shalt  }
0x6e: {  	_ =	shalt  }
0x6f: {  	_ =	shalt  }
0x70: {  	_ =	shalt  }
0x71: {  	_ =	shalt  }
0x72: {  	_ =	shalt  }
0x73: {  	_ =	shalt  }
0x74: {  	_ =	shalt  }
0x75: {  	_ =	shalt  }
0x76: {  	_ =	shalt  }
0x77: {  	_ =	shalt  }
0x78: {  	_ =	shalt  }
0x79: {  	_ =	shalt  }
0x7a: {  	_ =	shalt  }
0x7b: {  	_ =	shalt  }
0x7c: {  	_ =	shalt  }
0x7d: {  	_ =	shalt  }
0x7e: {  	_ =	shalt  }
0x7f: {  	_ =	shalt  }
0x80: {  	_ =	shalt  }
0x81: {  	_ =	shalt  }
0x82: {  	_ =	shalt  }
0x83: {  	_ =	shalt  }
0x84: {  	_ =	shalt  }
0x85: {  	_ =	shalt  }
0x86: {  	_ =	shalt  }
0x87: {  	_ =	shalt  }
.Lfunc_end0:
.L_simem_size_0:
called_computation_lowered:
.L_overlay_start_0:
0x88: {  	s2 =	sld [smem:$0x3FD9]  }
0x89: {  	s3 =	sld [smem:$0x3FFE];
	_ =	sdelay $0x1  }
0x8a: {  	s1 =	srdreg.scid  }
0x8b: {  	s0 =	sand.u32 $0x1, s1  }
0x8c: {  	s17 =	sshll.u32 s0, $0xA;
	s2 =	sadd.s32 s3, s2  }
0x8d: {  	s2 =	sadd.s32 s2, s17  }
0x8e: {  	[smem:$0x3FC5] =	sst s2  }
0x8f: {  	_ = 	snop  }
0x90: {  	s2 =	sld [smem:$0x3FC9];
	(tm) =	ssettm $0x1  }
0x91: {  	s18 =	sld [smem:$0x3FFB];
	_ =	sdelay $0x3  }
0x92: {  	_ =	strace s18  }
0x93: {  	s3 =	sld [smem:$0x3FFC];
	_ =	sdelay $0x3  }
0x94: {  	_ =	strace s3  }
0x95: {  	s3 =	sld [smem:$0x3FFD];
	_ =	sdelay $0x3  }
0x96: {  	_ =	strace s3  }
0x97: {  	_ =	strace $0x8FFFFFFF  }
0x98: {  	s19 =	sld [smem:$0x3FDB];
	_ =	sdelay $0x1  }
0x99: {  	s4 =	simm.s32 $_scs_section_size  }
0x9a: {  	s5 =	simm.s32 $_size__tile_overlayer_lowered;
	s6 =	simm.s32 $_tile_overlayer_lowered  }
0x9b: {  	s22 =	simm.s32 $0x1BFF;
	s21 =	sshll.u32 s6, $0x1;
	s3 =	sadd.s32 s4, s19  }
0x9c: {  	s7 =	simm.s32 $0x0;
	s20 =	sshll.u32 s5, $0x1;
	s5 =	sadd.s32 s21, s3  }
0x9d: {  	[timem:s7], [sflag:s22] =	dma.local [hbm:s5], s20  }
0x9e: {  	_ =	swait.ge [sflag:s22], s20  }
0x9f: {  	s4 =	ssub.s32 $0x0, s20;
	[sflag:s22] =	ssyncset.done $0x0  }
0xa0: {  	[sflag:s22] =	ssyncadd.s32 s4;
	_ =	sdelay $0x1  }
0xa1: {  	s23 =	simm.s32 $0x1B8B  }
0xa2: {  	_ =	swait.ge [sflag:s23], $0x1  }
0xa3: {  	[sflag:s23] =	ssyncset.done $0x0  }
0xa4: {  	s25 =	simm.s32 $0x1B8E;
	s24 =	sld [smem:$0x3FFE];
	[sflag:s23] =	ssyncadd.s32 $0xFFFFFFFF  }
0xa5: {  	s26 =	simm.s32 $execute0_lowered;
	[smem:$0x3FD2] =	sst s25  }
0xa6: {  	s5 =	sshll.u32 s26, $0x1;
	_ =	strace $0x80000046;
	[dreg:$0x1] =	wrdreg $0xFFFFFFFF  }
0xa7: {  	s28 =	simm.s32 $_size_execute0_lowered;
	s3 =	sadd.s32 s3, s5;
	[dreg:$0x0] =	wrdreg $0x0  }
0xa8: {  	s5 =	sshll.u32 s28, $0x1;
	[dreg:$0x2] =	wrdreg s3  }
0xa9: {  	[dreg:$0x3] =	wrdreg s5  }
0xaa: {  	[dreg:$0x4] =	wrdreg $0xC0  }
0xab: {  	_ =	task [dreg:s7], $0x5FFFF  }
0xac: {  	[dreg:$0x1] =	wrdreg $0xFFFFFFFF  }
0xad: {  	[dreg:$0x0] =	wrdreg $0x60  }
0xae: {  	[dreg:$0x2] =	wrdreg s2  }
0xaf: {  	[dreg:$0x3] =	wrdreg s24  }
0xb0: {  	[dreg:$0x4] =	wrdreg $0x9  }
0xb1: {  	_ =	task.clear_ibuf [dreg:s7], $0x5FFFF;
	_ =	strace $0x90000046  }
0xb2: {  	s29 =	simm.s32 $0x9;
	_ =	strace $0x80000048  }
0xb3: {  	_ =	swait.ge [sflag:s29], $0x1  }
0xb4: {  	[sflag:s29] =	ssyncadd.s32 $0xFFFFFFFF  }
0xb5: {  	_ =	strace $0x90000048  }
0xb6: {  	_ =	sfence  }
0xb7: {  	s30 =	sld [smem:$0x0];
	_ =	sdelay $0x2  }
0xb8: {  	s31 =	sshll.u32 s1, $0xD;
	s1 =	sshrl.u32 s1, $0x2  }
0xb9: {  	s3 =	sand.u32 $0x4000, s31;
	s1 =	sadd.s32 s1, s30  }
0xba: {  	s0 =	sor.u32 s3, s0;
	s1 =	sshll.u32 s1, $0x11  }
0xbb: {  	s0 =	sor.u32 s1, s0  }
0xbc: {  	s0 =	sadd.s32 $0x8F2B, s0  }
0xbd: {  	[sflag:s0] =	ssyncadd.remote.s32 $0x1  }
0xbe: {  	_ =	sfence.sel $0xFFFF  }
0xbf: {  	[dreg:$0x0] =	wrdreg $0xFFFFFFFF;
	(pc) =	sbr.abs _section_cstart, $3  }
0xc0: {  	[dreg:$0x1] =	wrdreg $0xFFFFFFFF  }
0xc1: {  	_ =	task.clear_ibuf [dreg:s7], $0x2FFFF;
	_ =	strace $0x9FFFFFFF  }
0xc2: {  	(tm) =	ssettm $0x7FFFFFFF  }
0xc3: {  	_ =	shalt  }
tec
execute0_lowered:
.L_overlay_start_1:
0x0: {  	(tag) =	ssettag $0x1  }
0x1: {  	s1 =	rddreg [dreg:$0x0]  }
0x2: {  	s4 =	rddreg [dreg:$0x1]  }
0x3: {  	s0 =	rddreg [dreg:$0x2];
	s3 =	simm.s32 $0x0  }
0x4: {  	s5 =	srdreg.scid;
	s2 =	stileid.u32;
	s13 =	simm.s32 $0xC00  }
0x5: {  	s14 =	simm.s32 $0x1;
	s15 =	simm.s32 $0x80;
	s16 =	simm.s32 $0x2  }
0x6: {  	s17 =	simm.s32 $0x3;
	s18 =	simm.s32 $0x2000;
	s19 =	simm.s32 $0x4  }
0x7: {  	s20 =	simm.s32 $0x0;
	[smem:$0x7FF] =	sst s3;
	s5 =	sand.u32 $0x1, s5  }
0x8: {  	s6 =	sshll.u32 s2, $0x1;
	s7 =	sadd.s32 $0x600, s4;
	s9 =	sadd.s32 $0x2600, s4  }
0x9: {  	_ =	strace $0x80000047;
	s8 =	sor.u32 s5, s6;
	s5 =	ssub.s32 $0x2, s5  }
0xa: {  	s6 =	sshll.u32 s8, $0x4;
	s10 =	sshrl.u32 s5, $0x1;
	s31 =	sshll.u32 s8, $0x8  }
0xb: {  	s8 =	sshll.u32 s8, $0x14;
	s11 =	sadd.s32 s6, s4;
	s10 =	ssub.s32 s5, s10  }
0xc: {  	s4 =	sadd.s32 s7, s31;
	s5 =	sadd.s32 s9, s31;
	s12 =	sor.u32 $0x80, s31  }
0xd: {  	s6 =	sadd.s32 s7, s12;
	s7 =	sadd.s32 s9, s12;
	s9 =	sadd.s32 $0x4600, s11  }
0xe: {  	s10 =	smax.u32 s10, $0x1;
	s11 =	simm.s32 $0x800;
	s12 =	simm.s32 $0x400  }
.LBB2_1:
0xf: {  	[tilespmem:s3], [sflag:$0x1] =	stream.linear.gather [hbm4b:s4+s3], $0x400, $0x38;
	[tilespmem:$0x2080] =	vst v63  }
0x10: {  	_ = 	snop  }
0x11: {  	[tilespmem:s11], [sflag:$0x1] =	stream.linear.gather [hbm4b:s5+s3], $0x400, $0x38;
	[tilespmem:$0x2080] =	vst v63  }
0x12: {  	_ = 	snop  }
0x13: {  	[tilespmem:s12], [sflag:$0x1] =	stream.linear.gather [hbm4b:s6+s3], $0x400, $0x38;
	[tilespmem:$0x2080] =	vst v63  }
0x14: {  	_ = 	snop  }
0x15: {  	[tilespmem:s13], [sflag:$0x1] =	stream.linear.gather [hbm4b:s7+s3], $0x400, $0x38;
	[tilespmem:$0x2080] =	vst v63  }
0x16: {  	_ =	swait.ge [sflag:s14], $0x400  }
0x17: {  	[sflag:s14] =	ssyncset.done $0x0  }
0x18: {  	[sflag:s14] =	ssyncadd.s32 $0xFFFFFC00  }
0x19: {  	_ =	swait.ge [sflag:s14], $0x400  }
0x1a: {  	[sflag:s14] =	ssyncset.done $0x0  }
0x1b: {  	s22 =	simm.s32 $0x40;
	[sflag:s14] =	ssyncadd.s32 $0xFFFFFC00  }
0x1c: {  	v0 =	vld [tilespmem:s22+$0xFFFFFFC0];
	_ =	sdelay $0x1  }
0x1d: {  	s23 =	simm.s32 $0x840  }
0x1e: {  	v1 =	vld [tilespmem:s23+$0xFFFFFFC0];
	_ =	sdelay $0x1  }
0x1f: {  	s21 =	sand.u32 $0x40000, s3;
	v2 =	vshll.u32 v0, $0x9  }
0x20: {  	s24 =	sor.u32 s8, s21;
	v0 =	vshll.u32 v0, $0x7;
	v2 =	vand.u32 $0xFFFFF000, v2  }
0x21: {  	v0 =	vand.u32 $0x380, v0;
	v2 =	vadd.s32 s24, v2  }
0x22: {  	v3 =	vshll.u32 v1, $0x3;
	v1 =	vand.u32 $0x7F, v1;
	v0 =	vor.u32 v0, v2  }
0x23: {  	v35 =	vand.u32 $0xFFFFFC00, v3;
	v0 =	vor.u32 v1, v0  }
0x24: {  	s21 =	simm.s32 $0x1000;
	v0 =	vadd.s32 v35, v0  }
0x25: {  	[tilespmem:s21+$0x0] =	vst v0  }
0x26: {  	v0 =	vld [tilespmem:s22+$0xFFFFFFD0];
	_ =	sdelay $0x2  }
0x27: {  	v36 =	vld [tilespmem:s23+$0xFFFFFFD0];
	_ =	sdelay $0x1  }
0x28: {  	v37 =	vshll.u32 v0, $0x9  }
0x29: {  	v0 =	vshll.u32 v0, $0x7;
	v2 =	vand.u32 $0xFFFFF000, v37  }
0x2a: {  	v0 =	vand.u32 $0x380, v0;
	v2 =	vadd.s32 s24, v2  }
0x2b: {  	v38 =	vshll.u32 v36, $0x3;
	v1 =	vand.u32 $0x7F, v36;
	v0 =	vor.u32 v0, v2  }
0x2c: {  	v39 =	vand.u32 $0xFFFFFC00, v38;
	v0 =	vor.u32 v1, v0  }
0x2d: {  	v0 =	vadd.s32 v39, v0  }
0x2e: {  	[tilespmem:s21+$0x10] =	vst v0  }
0x2f: {  	v0 =	vld [tilespmem:s22+$0xFFFFFFE0];
	_ =	sdelay $0x2  }
0x30: {  	v40 =	vld [tilespmem:s23+$0xFFFFFFE0];
	_ =	sdelay $0x1  }
0x31: {  	v41 =	vshll.u32 v0, $0x9  }
0x32: {  	v0 =	vshll.u32 v0, $0x7;
	v2 =	vand.u32 $0xFFFFF000, v41  }
0x33: {  	v0 =	vand.u32 $0x380, v0;
	v2 =	vadd.s32 s24, v2  }
0x34: {  	v42 =	vshll.u32 v40, $0x3;
	v1 =	vand.u32 $0x7F, v40;
	v0 =	vor.u32 v0, v2  }
0x35: {  	v43 =	vand.u32 $0xFFFFFC00, v42;
	v0 =	vor.u32 v1, v0  }
0x36: {  	v0 =	vadd.s32 v43, v0  }
0x37: {  	[tilespmem:s21+$0x20] =	vst v0  }
0x38: {  	v0 =	vld [tilespmem:s22+$0xFFFFFFF0];
	_ =	sdelay $0x2  }
0x39: {  	v44 =	vld [tilespmem:s23+$0xFFFFFFF0];
	_ =	sdelay $0x1  }
0x3a: {  	v45 =	vshll.u32 v0, $0x9  }
0x3b: {  	v0 =	vshll.u32 v0, $0x7;
	v2 =	vand.u32 $0xFFFFF000, v45  }
0x3c: {  	v0 =	vand.u32 $0x380, v0;
	v2 =	vadd.s32 s24, v2  }
0x3d: {  	v46 =	vshll.u32 v44, $0x3;
	v1 =	vand.u32 $0x7F, v44;
	v0 =	vor.u32 v0, v2  }
0x3e: {  	v47 =	vand.u32 $0xFFFFFC00, v46;
	v0 =	vor.u32 v1, v0  }
0x3f: {  	v0 =	vadd.s32 v47, v0  }
0x40: {  	[tilespmem:s21+$0x30] =	vst v0  }
0x41: {  	v0 =	vld [tilespmem:s22+$0x0];
	_ =	sdelay $0x2  }
0x42: {  	v48 =	vld [tilespmem:s23+$0x0];
	_ =	sdelay $0x1  }
0x43: {  	v49 =	vshll.u32 v0, $0x9  }
0x44: {  	v0 =	vshll.u32 v0, $0x7;
	v2 =	vand.u32 $0xFFFFF000, v49  }
0x45: {  	v0 =	vand.u32 $0x380, v0;
	v2 =	vadd.s32 s24, v2  }
0x46: {  	v50 =	vshll.u32 v48, $0x3;
	v1 =	vand.u32 $0x7F, v48;
	v0 =	vor.u32 v0, v2  }
0x47: {  	v51 =	vand.u32 $0xFFFFFC00, v50;
	v0 =	vor.u32 v1, v0  }
0x48: {  	v0 =	vadd.s32 v51, v0  }
0x49: {  	[tilespmem:s21+$0x40] =	vst v0  }
0x4a: {  	v0 =	vld [tilespmem:s22+$0x10];
	_ =	sdelay $0x2  }
0x4b: {  	v52 =	vld [tilespmem:s23+$0x10];
	_ =	sdelay $0x1  }
0x4c: {  	v53 =	vshll.u32 v0, $0x9  }
0x4d: {  	v0 =	vshll.u32 v0, $0x7;
	v2 =	vand.u32 $0xFFFFF000, v53  }
0x4e: {  	v0 =	vand.u32 $0x380, v0;
	v2 =	vadd.s32 s24, v2  }
0x4f: {  	v54 =	vshll.u32 v52, $0x3;
	v1 =	vand.u32 $0x7F, v52;
	v0 =	vor.u32 v0, v2  }
0x50: {  	v55 =	vand.u32 $0xFFFFFC00, v54;
	v0 =	vor.u32 v1, v0  }
0x51: {  	v0 =	vadd.s32 v55, v0  }
0x52: {  	[tilespmem:s21+$0x50] =	vst v0  }
0x53: {  	v0 =	vld [tilespmem:s22+$0x20];
	_ =	sdelay $0x2  }
0x54: {  	v56 =	vld [tilespmem:s23+$0x20];
	_ =	sdelay $0x1  }
0x55: {  	v57 =	vshll.u32 v0, $0x9  }
0x56: {  	v0 =	vshll.u32 v0, $0x7;
	v2 =	vand.u32 $0xFFFFF000, v57  }
0x57: {  	v0 =	vand.u32 $0x380, v0;
	v2 =	vadd.s32 s24, v2  }
0x58: {  	v58 =	vshll.u32 v56, $0x3;
	v1 =	vand.u32 $0x7F, v56;
	v0 =	vor.u32 v0, v2  }
0x59: {  	v59 =	vand.u32 $0xFFFFFC00, v58;
	v0 =	vor.u32 v1, v0  }
0x5a: {  	v0 =	vadd.s32 v59, v0  }
0x5b: {  	[tilespmem:s21+$0x60] =	vst v0  }
0x5c: {  	v0 =	vld [tilespmem:s22+$0x30];
	_ =	sdelay $0x2  }
0x5d: {  	v60 =	vld [tilespmem:s23+$0x30];
	_ =	sdelay $0x1  }
0x5e: {  	v61 =	vshll.u32 v0, $0x9  }
0x5f: {  	v0 =	vshll.u32 v0, $0x7;
	v2 =	vand.u32 $0xFFFFF000, v61  }
0x60: {  	v0 =	vand.u32 $0x380, v0;
	v2 =	vadd.s32 s24, v2  }
0x61: {  	v62 =	vshll.u32 v60, $0x3;
	v1 =	vand.u32 $0x7F, v60;
	v0 =	vor.u32 v0, v2  }
0x62: {  	v63 =	vand.u32 $0xFFFFFC00, v62;
	v0 =	vor.u32 v1, v0  }
0x63: {  	s25 =	simm.s32 $0x1800;
	s26 =	simm.s32 $0x1080;
	s28 =	simm.s32 $0x8C0;
	v0 =	vadd.s32 v63, v0  }
0x64: {  	s22 =	simm.s32 $0x10000;
	s23 =	simm.s32 $0xC0;
	s24 =	simm.s32 $0x1900;
	[tilespmem:s21+$0x70] =	vst v0  }
.LBB2_2:
0x65: {  	[tilespmem:s25], [sflag:$0x2] =	stream.indirect.gather [hbm4b:s1+s15], $0x1, s21, s15, $0xb8;
	[tilespmem:$0x2080] =	vst v63  }
0x66: {  	p0 =	sne.s32 s22, $0x70000;
	s29 =	smov.u32 s22;
	s22 =	sadd.s32 $0x10000, s22;
	v0 =	vld [tilespmem:s23+$0xFFFFFFC0]  }
0x67: {  	s25 =	smov.u32 s24;
	s21 =	smov.u32 s26;
	_ =	sdelay $0x1  }
0x68: {  	v1 =	vld [tilespmem:s28+$0xFFFFFFC0];
	_ =	sdelay $0x1  }
0x69: {  	s29 =	sand.u32 $0x40000, s29;
	v2 =	vshll.u32 v0, $0x9;
	v0 =	vshll.u32 v0, $0x7  }
0x6a: {  	s29 =	sor.u32 s8, s29;
	v2 =	vand.u32 $0xFFFFF000, v2  }
0x6b: {  	v0 =	vand.u32 $0x380, v0;
	v2 =	vadd.s32 s29, v2  }
0x6c: {  	v3 =	vshll.u32 v1, $0x3;
	v1 =	vand.u32 $0x7F, v1;
	v0 =	vor.u32 v0, v2  }
0x6d: {  	v2 =	vand.u32 $0xFFFFFC00, v3;
	v0 =	vor.u32 v1, v0  }
0x6e: {  	v0 =	vadd.s32 v2, v0  }
0x6f: {  	[tilespmem:s26+$0x0] =	vst v0  }
0x70: {  	v0 =	vld [tilespmem:s23+$0xFFFFFFD0];
	_ =	sdelay $0x2  }
0x71: {  	v1 =	vld [tilespmem:s28+$0xFFFFFFD0];
	_ =	sdelay $0x1  }
0x72: {  	v2 =	vshll.u32 v0, $0x9;
	v0 =	vshll.u32 v0, $0x7  }
0x73: {  	v2 =	vand.u32 $0xFFFFF000, v2  }
0x74: {  	v0 =	vand.u32 $0x380, v0;
	v2 =	vadd.s32 s29, v2  }
0x75: {  	v3 =	vshll.u32 v1, $0x3;
	v1 =	vand.u32 $0x7F, v1;
	v0 =	vor.u32 v0, v2  }
0x76: {  	v2 =	vand.u32 $0xFFFFFC00, v3;
	v0 =	vor.u32 v1, v0  }
0x77: {  	v0 =	vadd.s32 v2, v0  }
0x78: {  	[tilespmem:s26+$0x10] =	vst v0  }
0x79: {  	v0 =	vld [tilespmem:s23+$0xFFFFFFE0];
	_ =	sdelay $0x2  }
0x7a: {  	v1 =	vld [tilespmem:s28+$0xFFFFFFE0];
	_ =	sdelay $0x1  }
0x7b: {  	v2 =	vshll.u32 v0, $0x9;
	v0 =	vshll.u32 v0, $0x7  }
0x7c: {  	v2 =	vand.u32 $0xFFFFF000, v2  }
0x7d: {  	v0 =	vand.u32 $0x380, v0;
	v2 =	vadd.s32 s29, v2  }
0x7e: {  	v3 =	vshll.u32 v1, $0x3;
	v1 =	vand.u32 $0x7F, v1;
	v0 =	vor.u32 v0, v2  }
0x7f: {  	v2 =	vand.u32 $0xFFFFFC00, v3;
	v0 =	vor.u32 v1, v0  }
0x80: {  	v0 =	vadd.s32 v2, v0  }
0x81: {  	[tilespmem:s26+$0x20] =	vst v0  }
0x82: {  	v0 =	vld [tilespmem:s23+$0xFFFFFFF0];
	_ =	sdelay $0x2  }
0x83: {  	v1 =	vld [tilespmem:s28+$0xFFFFFFF0];
	_ =	sdelay $0x1  }
0x84: {  	v2 =	vshll.u32 v0, $0x9;
	v0 =	vshll.u32 v0, $0x7  }
0x85: {  	v2 =	vand.u32 $0xFFFFF000, v2  }
0x86: {  	v0 =	vand.u32 $0x380, v0;
	v2 =	vadd.s32 s29, v2  }
0x87: {  	v3 =	vshll.u32 v1, $0x3;
	v1 =	vand.u32 $0x7F, v1;
	v0 =	vor.u32 v0, v2  }
0x88: {  	v2 =	vand.u32 $0xFFFFFC00, v3;
	v0 =	vor.u32 v1, v0  }
0x89: {  	v0 =	vadd.s32 v2, v0  }
0x8a: {  	[tilespmem:s26+$0x30] =	vst v0  }
0x8b: {  	v0 =	vld [tilespmem:s23+$0x0];
	_ =	sdelay $0x2  }
0x8c: {  	v1 =	vld [tilespmem:s28+$0x0];
	_ =	sdelay $0x1  }
0x8d: {  	v2 =	vshll.u32 v0, $0x9;
	v0 =	vshll.u32 v0, $0x7  }
0x8e: {  	v2 =	vand.u32 $0xFFFFF000, v2  }
0x8f: {  	v0 =	vand.u32 $0x380, v0;
	v2 =	vadd.s32 s29, v2  }
0x90: {  	v3 =	vshll.u32 v1, $0x3;
	v1 =	vand.u32 $0x7F, v1;
	v0 =	vor.u32 v0, v2  }
0x91: {  	v2 =	vand.u32 $0xFFFFFC00, v3;
	v0 =	vor.u32 v1, v0  }
0x92: {  	v0 =	vadd.s32 v2, v0  }
0x93: {  	[tilespmem:s26+$0x40] =	vst v0  }
0x94: {  	v0 =	vld [tilespmem:s23+$0x10]  }
0x95: {  	v1 =	vld [tilespmem:s28+$0x10];
	_ =	sdelay $0x3  }
0x96: {  	v2 =	vshll.u32 v0, $0x9;
	v0 =	vshll.u32 v0, $0x7  }
0x97: {  	v2 =	vand.u32 $0xFFFFF000, v2;
	v3 =	vshll.u32 v1, $0x3  }
0x98: {  	v0 =	vand.u32 $0x380, v0;
	v2 =	vadd.s32 s29, v2  }
0x99: {  	v1 =	vand.u32 $0x7F, v1;
	v0 =	vor.u32 v0, v2  }
0x9a: {  	v2 =	vand.u32 $0xFFFFFC00, v3;
	v0 =	vor.u32 v1, v0  }
0x9b: {  	v0 =	vadd.s32 v2, v0  }
0x9c: {  	[tilespmem:s26+$0x50] =	vst v0  }
0x9d: {  	v0 =	vld [tilespmem:s23+$0x20]  }
0x9e: {  	v1 =	vld [tilespmem:s28+$0x20];
	_ =	sdelay $0x3  }
0x9f: {  	v2 =	vshll.u32 v0, $0x9;
	v0 =	vshll.u32 v0, $0x7  }
0xa0: {  	v2 =	vand.u32 $0xFFFFF000, v2;
	v3 =	vshll.u32 v1, $0x3  }
0xa1: {  	v0 =	vand.u32 $0x380, v0;
	v2 =	vadd.s32 s29, v2  }
0xa2: {  	v1 =	vand.u32 $0x7F, v1;
	v0 =	vor.u32 v0, v2  }
0xa3: {  	v2 =	vand.u32 $0xFFFFFC00, v3;
	v0 =	vor.u32 v1, v0  }
0xa4: {  	v0 =	vadd.s32 v2, v0  }
0xa5: {  	[tilespmem:s26+$0x60] =	vst v0  }
0xa6: {  	v0 =	vld [tilespmem:s23+$0x30]  }
0xa7: {  	v1 =	vld [tilespmem:s28+$0x30];
	_ =	sdelay $0x3  }
0xa8: {  	v2 =	vshll.u32 v0, $0x9;
	v0 =	vshll.u32 v0, $0x7  }
0xa9: {  	v2 =	vand.u32 $0xFFFFF000, v2;
	v3 =	vshll.u32 v1, $0x3  }
.Ltmp0:
0xaa: {  	v0 =	vand.u32 $0x380, v0;
	v2 =	vadd.s32 s29, v2;
	(pc) =	sbr.rel @p0 .LBB2_2-.Ltmp0, $4  }
0xab: {  	v1 =	vand.u32 $0x7F, v1;
	v0 =	vor.u32 v0, v2  }
0xac: {  	v2 =	vand.u32 $0xFFFFFC00, v3;
	v0 =	vor.u32 v1, v0  }
0xad: {  	s23 =	sadd.s32 $0x80, s23;
	v0 =	vadd.s32 v2, v0  }
0xae: {  	s24 =	sadd.s32 $0x100, s24;
	s26 =	sadd.s32 $0x80, s26;
	s28 =	sadd.s32 $0x80, s28;
	[tilespmem:s21+$0x70] =	vst v0  }
0xaf: {  	[tilespmem:s25], [sflag:$0x2] =	stream.indirect.gather [hbm4b:s1+s15], $0x1, s21, s15, $0xb8;
	[tilespmem:$0x2080] =	vst v63  }
0xb0: {  	_ =	swait.ge [sflag:s14], $0x400  }
0xb1: {  	[sflag:s14] =	ssyncset.done $0x0  }
0xb2: {  	[sflag:s14] =	ssyncadd.s32 $0xFFFFFC00  }
0xb3: {  	_ =	swait.ge [sflag:s14], $0x400  }
0xb4: {  	[sflag:s14] =	ssyncset.done $0x0  }
0xb5: {  	s23 =	simm.s32 $0x0;
	[sflag:s14] =	ssyncadd.s32 $0xFFFFFC00  }
0xb6: {  	v0 =	vld [tilespmem:s23+$0xC00]  }
0xb7: {  	v1 =	vld [tilespmem:s23+$0xC10]  }
0xb8: {  	v2 =	vld [tilespmem:s23+$0xC20]  }
0xb9: {  	v3 =	vld [tilespmem:s23+$0xC30]  }
0xba: {  	v4 =	vld [tilespmem:s23+$0xC40]  }
0xbb: {  	v6 =	vld [tilespmem:s23+$0xC50]  }
0xbc: {  	v7 =	vld [tilespmem:s23+$0xC60]  }
0xbd: {  	v10 =	vld [tilespmem:s23+$0xC70]  }
0xbe: {  	v11 =	vld [tilespmem:s23+$0x400]  }
0xbf: {  	v12 =	vld [tilespmem:s23+$0x410];
	v5 =	vshll.u32 v0, $0x3;
	v0 =	vand.u32 $0x7F, v0;
	v8 =	vshll.u32 v1, $0x3  }
0xc0: {  	v1 =	vand.u32 $0x7F, v1;
	v9 =	vshll.u32 v2, $0x3;
	v2 =	vand.u32 $0x7F, v2  }
0xc1: {  	v13 =	vshll.u32 v3, $0x3;
	v3 =	vand.u32 $0x7F, v3;
	v14 =	vshll.u32 v4, $0x3  }
0xc2: {  	v4 =	vand.u32 $0x7F, v4;
	v15 =	vshll.u32 v6, $0x3;
	v6 =	vand.u32 $0x7F, v6  }
0xc3: {  	v16 =	vshll.u32 v7, $0x3;
	v7 =	vand.u32 $0x7F, v7;
	v17 =	vshll.u32 v11, $0x9  }
0xc4: {  	v11 =	vshll.u32 v11, $0x7;
	v19 =	vshll.u32 v10, $0x3;
	v20 =	vshll.u32 v12, $0x9  }
0xc5: {  	s29 =	simm.s32 $0x80000;
	v12 =	vshll.u32 v12, $0x7;
	v10 =	vand.u32 $0x7F, v10;
	v5 =	vand.u32 $0xFFFFFC00, v5  }
0xc6: {  	s21 =	sand.u32 $0xC0000, s29;
	v18 =	vld [tilespmem:s23+$0x420];
	v8 =	vand.u32 $0xFFFFFC00, v8;
	v9 =	vand.u32 $0xFFFFFC00, v9;
	v13 =	vand.u32 $0xFFFFFC00, v13  }
0xc7: {  	s21 =	sor.u32 s8, s21;
	v14 =	vand.u32 $0xFFFFFC00, v14;
	v15 =	vand.u32 $0xFFFFFC00, v15;
	v17 =	vand.u32 $0xFFFFF000, v17  }
0xc8: {  	v21 =	vld [tilespmem:s23+$0x430];
	v11 =	vand.u32 $0x380, v11;
	v20 =	vand.u32 $0xFFFFF000, v20;
	v17 =	vadd.s32 s21, v17  }
0xc9: {  	v12 =	vand.u32 $0x380, v12;
	v11 =	vor.u32 v11, v17;
	v17 =	vadd.s32 s21, v20  }
0xca: {  	v16 =	vand.u32 $0xFFFFFC00, v16;
	v0 =	vor.u32 v0, v11;
	v11 =	vor.u32 v12, v17  }
0xcb: {  	v0 =	vadd.s32 v5, v0;
	v1 =	vor.u32 v1, v11;
	v5 =	vshll.u32 v18, $0x9;
	v11 =	vld [tilespmem:s23+$0x440]  }
0xcc: {  	v1 =	vadd.s32 v8, v1;
	v5 =	vand.u32 $0xFFFFF000, v5;
	v8 =	vshll.u32 v18, $0x7  }
0xcd: {  	v12 =	vshll.u32 v21, $0x9;
	v17 =	vld [tilespmem:s23+$0x450];
	v8 =	vand.u32 $0x380, v8;
	v5 =	vadd.s32 s21, v5  }
0xce: {  	v5 =	vor.u32 v8, v5;
	v8 =	vand.u32 $0xFFFFF000, v12;
	v12 =	vshll.u32 v21, $0x7  }
0xcf: {  	v2 =	vor.u32 v2, v5;
	v5 =	vand.u32 $0x380, v12;
	v8 =	vadd.s32 s21, v8  }
0xd0: {  	v2 =	vadd.s32 v9, v2;
	v5 =	vor.u32 v5, v8;
	v8 =	vshll.u32 v11, $0x9  }
0xd1: {  	v9 =	vld [tilespmem:s23+$0x460];
	v3 =	vor.u32 v3, v5;
	v5 =	vand.u32 $0xFFFFF000, v8;
	v8 =	vshll.u32 v11, $0x7  }
0xd2: {  	v12 =	vld [tilespmem:s23+$0x470];
	v11 =	vshll.u32 v17, $0x9;
	v8 =	vand.u32 $0x380, v8;
	v5 =	vadd.s32 s21, v5  }
0xd3: {  	v5 =	vor.u32 v8, v5;
	v8 =	vand.u32 $0xFFFFF000, v11;
	v11 =	vshll.u32 v17, $0x7  }
0xd4: {  	v4 =	vor.u32 v4, v5;
	v5 =	vand.u32 $0x380, v11;
	v8 =	vadd.s32 s21, v8  }
0xd5: {  	v3 =	vadd.s32 v13, v3;
	v4 =	vadd.s32 v14, v4;
	v5 =	vor.u32 v5, v8  }
0xd6: {  	[tilespmem:s23+$0x1400] =	vst v0;
	v0 =	vor.u32 v6, v5;
	v5 =	vshll.u32 v9, $0x9;
	v6 =	vshll.u32 v9, $0x7  }
0xd7: {  	[tilespmem:s23+$0x1410] =	vst v1;
	v1 =	vand.u32 $0xFFFFF000, v5;
	v5 =	vand.u32 $0x380, v6;
	v6 =	vshll.u32 v12, $0x9  }
0xd8: {  	[tilespmem:s23+$0x1420] =	vst v2;
	v1 =	vadd.s32 s21, v1;
	v2 =	vand.u32 $0xFFFFF000, v6;
	v6 =	vshll.u32 v12, $0x7  }
0xd9: {  	[tilespmem:s23+$0x1430] =	vst v3;
	v1 =	vor.u32 v5, v1;
	v3 =	vand.u32 $0x380, v6;
	v2 =	vadd.s32 s21, v2  }
0xda: {  	[tilespmem:s23+$0x1440] =	vst v4;
	v0 =	vadd.s32 v15, v0;
	v1 =	vor.u32 v7, v1;
	v2 =	vor.u32 v3, v2  }
0xdb: {  	[tilespmem:s23+$0x1450] =	vst v0;
	s21 =	simm.s32 $0x80;
	v0 =	vadd.s32 v16, v1;
	v1 =	vand.u32 $0xFFFFFC00, v19;
	v2 =	vor.u32 v10, v2  }
0xdc: {  	s24 =	sand.u32 $0x3FFFFF80, s21;
	[tilespmem:s23+$0x1460] =	vst v0;
	v0 =	vadd.s32 v1, v2  }
0xdd: {  	s22 =	simm.s32 $0x80;
	s30 =	simm.s32 $0x1400;
	s24 =	sadd.s32 $0x1800, s24;
	[tilespmem:s23+$0x1470] =	vst v0  }
0xde: {  	[tilespmem:s24], [sflag:$0x3] =	stream.indirect.gather [hbm4b:s1+s15], $0x1, s30, s15, $0xb8;
	[tilespmem:$0x2080] =	vst v63  }
0xdf: {  	v0 =	vld [tilespmem:s22+$0xC00]  }
0xe0: {  	v1 =	vld [tilespmem:s22+$0xC10]  }
0xe1: {  	v2 =	vld [tilespmem:s22+$0xC20]  }
0xe2: {  	v3 =	vld [tilespmem:s22+$0xC30]  }
0xe3: {  	v6 =	vld [tilespmem:s22+$0xC40]  }
0xe4: {  	v11 =	vld [tilespmem:s22+$0xC60];
	_ =	sdelay $0x1  }
0xe5: {  	v7 =	vld [tilespmem:s22+$0xC50];
	v4 =	vshll.u32 v0, $0x3;
	v10 =	vand.u32 $0x7F, v0  }
0xe6: {  	v14 =	vld [tilespmem:s22+$0x400];
	v0 =	vshll.u32 v1, $0x3;
	v12 =	vand.u32 $0x7F, v1;
	v1 =	vshll.u32 v2, $0x3  }
0xe7: {  	v17 =	vand.u32 $0x7F, v2;
	v19 =	vand.u32 $0x7F, v3;
	v8 =	vand.u32 $0x7F, v6  }
0xe8: {  	v18 =	vld [tilespmem:s22+$0x410];
	v2 =	vshll.u32 v11, $0x3;
	v9 =	vand.u32 $0xFFFFFC00, v4;
	v15 =	vand.u32 $0xFFFFFC00, v0  }
0xe9: {  	v16 =	vand.u32 $0xFFFFFC00, v1;
	v0 =	vshll.u32 v3, $0x3;
	v1 =	vshll.u32 v6, $0x3  }
0xea: {  	v6 =	vand.u32 $0x7F, v7;
	v4 =	vand.u32 $0xFFFFFC00, v0;
	v0 =	vshll.u32 v7, $0x3  }
0xeb: {  	s24 =	simm.s32 $0x90000;
	v13 =	vld [tilespmem:s22+$0xC70];
	v5 =	vand.u32 $0xFFFFFC00, v1;
	v7 =	vshll.u32 v14, $0x9;
	v1 =	vand.u32 $0xFFFFFC00, v0  }
0xec: {  	s31 =	sand.u32 $0xC0000, s24;
	v0 =	vand.u32 $0xFFFFFC00, v2;
	v2 =	vand.u32 $0x7F, v11;
	v11 =	vshll.u32 v14, $0x7;
	v14 =	vld [tilespmem:s22+$0x420]  }
0xed: {  	s26 =	sor.u32 s8, s31;
	v62 =	vshll.u32 v18, $0x9;
	v18 =	vshll.u32 v18, $0x7;
	v7 =	vand.u32 $0xFFFFF000, v7  }
0xee: {  	v63 =	vld [tilespmem:s22+$0x430];
	v20 =	vand.u32 $0xFFFFF000, v62;
	v11 =	vand.u32 $0x380, v11;
	v7 =	vadd.s32 s26, v7  }
0xef: {  	v7 =	vor.u32 v11, v7;
	v11 =	vand.u32 $0x380, v18;
	v18 =	vadd.s32 s26, v20  }
0xf0: {  	v3 =	vshll.u32 v13, $0x3;
	v10 =	vor.u32 v10, v7;
	v11 =	vor.u32 v11, v18  }
0xf1: {  	v9 =	vadd.s32 v9, v10;
	v10 =	vor.u32 v12, v11;
	v11 =	vshll.u32 v14, $0x9  }
0xf2: {  	v7 =	vand.u32 $0x7F, v13;
	v12 =	vshll.u32 v14, $0x7;
	v11 =	vand.u32 $0xFFFFF000, v11  }
0xf3: {  	v13 =	vld [tilespmem:s22+$0x440];
	v14 =	vshll.u32 v63, $0x9;
	v12 =	vand.u32 $0x380, v12;
	v11 =	vadd.s32 s26, v11  }
0xf4: {  	v11 =	vor.u32 v12, v11;
	v12 =	vand.u32 $0xFFFFF000, v14  }
0xf5: {  	v10 =	vadd.s32 v15, v10;
	v15 =	vadd.s32 s26, v12;
	v12 =	vld [tilespmem:s22+$0x450]  }
0xf6: {  	v14 =	vshll.u32 v63, $0x7  }
0xf7: {  	v11 =	vor.u32 v17, v11;
	v14 =	vand.u32 $0x380, v14  }
0xf8: {  	v11 =	vadd.s32 v16, v11;
	v14 =	vor.u32 v14, v15;
	v15 =	vshll.u32 v13, $0x9  }
0xf9: {  	s25 =	simm.s32 $0x400;
	s23 =	simm.s32 $0x1800;
	v16 =	vshll.u32 v13, $0x7;
	v13 =	vld [tilespmem:s22+$0x460];
	v14 =	vor.u32 v19, v14;
	v15 =	vand.u32 $0xFFFFF000, v15  }
.LBB2_4:
0xfa: {  	p0 =	sne.s32 s25, $0xE00;
	v16 =	vand.u32 $0x380, v16;
	v15 =	vadd.s32 s26, v15;
	v17 =	vshll.u32 v12, $0x9;
	v18 =	vld [tilespmem:s22+$0x470]  }
0xfb: {  	v12 =	vshll.u32 v12, $0x7;
	v15 =	vor.u32 v16, v15;
	v16 =	vand.u32 $0xFFFFF000, v17  }
0xfc: {  	v12 =	vand.u32 $0x380, v12;
	v8 =	vor.u32 v8, v15;
	v15 =	vadd.s32 s26, v16  }
0xfd: {  	v4 =	vadd.s32 v4, v14;
	v5 =	vadd.s32 v5, v8;
	v8 =	vor.u32 v12, v15  }
0xfe: {  	[tilespmem:s22+$0x1400] =	vst v9;
	v6 =	vor.u32 v6, v8;
	v8 =	vshll.u32 v13, $0x9;
	v9 =	vshll.u32 v13, $0x7  }
0xff: {  	[tilespmem:s22+$0x1410] =	vst v10;
	v8 =	vand.u32 $0xFFFFF000, v8;
	v9 =	vand.u32 $0x380, v9;
	v10 =	vshll.u32 v18, $0x9  }
0x100: {  	[tilespmem:s22+$0x1420] =	vst v11;
	v8 =	vadd.s32 s26, v8;
	v10 =	vand.u32 $0xFFFFF000, v10;
	v11 =	vshll.u32 v18, $0x7  }
0x101: {  	[tilespmem:s22+$0x1430] =	vst v4;
	v4 =	vor.u32 v9, v8;
	v8 =	vand.u32 $0x380, v11;
	v9 =	vadd.s32 s26, v10  }
0x102: {  	s21 =	sadd.s32 $0x10, s21;
	v1 =	vadd.s32 v1, v6;
	[tilespmem:s22+$0x1440] =	vst v5;
	v2 =	vor.u32 v2, v4;
	v4 =	vor.u32 v8, v9  }
0x103: {  	s23 =	sadd.s32 $0x100, s23;
	s26 =	sand.u32 $0x3FFFFF80, s21;
	[tilespmem:s22+$0x1450] =	vst v1;
	v0 =	vadd.s32 v0, v2;
	v1 =	vand.u32 $0xFFFFFC00, v3;
	v2 =	vor.u32 v7, v4  }
0x104: {  	s28 =	sshra.s32 s25, $0x2;
	s29 =	sadd.s32 $0x1400, s22;
	s26 =	sadd.s32 s26, s23;
	[tilespmem:s22+$0x1460] =	vst v0;
	v0 =	vadd.s32 v1, v2  }
0x105: {  	[tilespmem:s22+$0x1470] =	vst v0;
	[tilespmem:s26], [sflag:$0x3] =	stream.indirect.gather [hbm4b:s1+s15], $0x1, s29, s15, $0xb8  }
0x106: {  	s22 =	smov.u32 s28;
	v0 =	vld [tilespmem:s28+$0xC00]  }
0x107: {  	v1 =	vld [tilespmem:s22+$0xC10]  }
0x108: {  	v2 =	vld [tilespmem:s22+$0xC20]  }
0x109: {  	v3 =	vld [tilespmem:s22+$0xC30]  }
0x10a: {  	v6 =	vld [tilespmem:s22+$0xC40]  }
0x10b: {  	v4 =	vshll.u32 v0, $0x3;
	v7 =	vld [tilespmem:s22+$0xC50]  }
0x10c: {  	v10 =	vand.u32 $0x7F, v0;
	v9 =	vand.u32 $0xFFFFFC00, v4;
	v11 =	vld [tilespmem:s22+$0xC60]  }
0x10d: {  	v0 =	vshll.u32 v1, $0x3;
	v12 =	vand.u32 $0x7F, v1;
	v1 =	vshll.u32 v2, $0x3;
	v13 =	vld [tilespmem:s22+$0xC70]  }
0x10e: {  	v15 =	vand.u32 $0xFFFFFC00, v0;
	v17 =	vand.u32 $0x7F, v2;
	v14 =	vld [tilespmem:s22+$0x400];
	v16 =	vand.u32 $0xFFFFFC00, v1  }
0x10f: {  	v0 =	vshll.u32 v3, $0x3;
	v19 =	vand.u32 $0x7F, v3;
	v18 =	vld [tilespmem:s22+$0x410];
	v1 =	vshll.u32 v6, $0x3  }
0x110: {  	v4 =	vand.u32 $0xFFFFFC00, v0;
	v8 =	vand.u32 $0x7F, v6;
	v5 =	vand.u32 $0xFFFFFC00, v1  }
0x111: {  	v0 =	vshll.u32 v7, $0x3;
	v6 =	vand.u32 $0x7F, v7;
	v2 =	vshll.u32 v11, $0x3  }
0x112: {  	s24 =	sadd.s32 $0x10000, s24;
	v1 =	vand.u32 $0xFFFFFC00, v0;
	v0 =	vand.u32 $0xFFFFFC00, v2;
	v2 =	vand.u32 $0x7F, v11  }
0x113: {  	s26 =	sand.u32 $0xC0000, s24;
	v3 =	vshll.u32 v13, $0x3;
	v7 =	vshll.u32 v14, $0x9;
	v11 =	vshll.u32 v14, $0x7;
	v14 =	vld [tilespmem:s22+$0x420]  }
0x114: {  	s26 =	sor.u32 s8, s26;
	v7 =	vand.u32 $0xFFFFF000, v7;
	v11 =	vand.u32 $0x380, v11;
	v20 =	vshll.u32 v18, $0x9  }
0x115: {  	v18 =	vshll.u32 v18, $0x7;
	v7 =	vadd.s32 s26, v7;
	v20 =	vand.u32 $0xFFFFF000, v20;
	v21 =	vld [tilespmem:s22+$0x430]  }
0x116: {  	v7 =	vor.u32 v11, v7;
	v11 =	vand.u32 $0x380, v18;
	v18 =	vadd.s32 s26, v20  }
0x117: {  	v10 =	vor.u32 v10, v7;
	v11 =	vor.u32 v11, v18;
	v7 =	vand.u32 $0x7F, v13  }
0x118: {  	v9 =	vadd.s32 v9, v10;
	v10 =	vor.u32 v12, v11;
	v11 =	vshll.u32 v14, $0x9;
	v13 =	vld [tilespmem:s22+$0x440]  }
0x119: {  	v12 =	vshll.u32 v14, $0x7;
	v10 =	vadd.s32 v15, v10;
	v11 =	vand.u32 $0xFFFFF000, v11  }
.Ltmp1:
0x11a: {  	v14 =	vand.u32 $0x380, v12;
	v11 =	vadd.s32 s26, v11;
	v15 =	vshll.u32 v21, $0x9;
	v12 =	vld [tilespmem:s22+$0x450];
	(pc) =	sbr.rel @p0 .LBB2_4-.Ltmp1, $4  }
0x11b: {  	v11 =	vor.u32 v14, v11;
	v14 =	vand.u32 $0xFFFFF000, v15;
	v15 =	vshll.u32 v21, $0x7  }
0x11c: {  	v11 =	vor.u32 v17, v11;
	v15 =	vand.u32 $0x380, v15;
	v14 =	vadd.s32 s26, v14  }
0x11d: {  	v11 =	vadd.s32 v16, v11;
	v14 =	vor.u32 v15, v14;
	v15 =	vshll.u32 v13, $0x9  }
0x11e: {  	s25 =	sadd.s32 $0x200, s25;
	v16 =	vshll.u32 v13, $0x7;
	v14 =	vor.u32 v19, v14;
	v15 =	vand.u32 $0xFFFFF000, v15;
	v13 =	vld [tilespmem:s22+$0x460]  }
0x11f: {  	v16 =	vand.u32 $0x380, v16;
	v15 =	vadd.s32 s26, v15;
	v17 =	vshll.u32 v12, $0x9;
	v18 =	vld [tilespmem:s22+$0x470]  }
0x120: {  	v47 =	vshll.u32 v12, $0x7;
	v15 =	vor.u32 v16, v15;
	v46 =	vand.u32 $0xFFFFF000, v17  }
0x121: {  	v12 =	vand.u32 $0x380, v47;
	v8 =	vor.u32 v8, v15;
	v48 =	vadd.s32 s26, v46  }
0x122: {  	v4 =	vadd.s32 v4, v14;
	v5 =	vadd.s32 v5, v8;
	v49 =	vor.u32 v12, v48  }
0x123: {  	[tilespmem:s22+$0x1400] =	vst v9;
	v6 =	vor.u32 v6, v49;
	v50 =	vshll.u32 v13, $0x9;
	v51 =	vshll.u32 v13, $0x7  }
0x124: {  	[tilespmem:s22+$0x1410] =	vst v10;
	v8 =	vand.u32 $0xFFFFF000, v50;
	v9 =	vand.u32 $0x380, v51;
	v52 =	vshll.u32 v18, $0x9  }
0x125: {  	[tilespmem:s22+$0x1420] =	vst v11;
	v53 =	vshll.u32 v18, $0x7;
	v8 =	vadd.s32 s26, v8;
	v10 =	vand.u32 $0xFFFFF000, v52  }
0x126: {  	[tilespmem:s22+$0x1430] =	vst v4;
	v55 =	vand.u32 $0x380, v53;
	v54 =	vor.u32 v9, v8;
	v56 =	vadd.s32 s26, v10  }
0x127: {  	[tilespmem:s22+$0x1440] =	vst v5;
	v1 =	vadd.s32 v1, v6;
	v2 =	vor.u32 v2, v54;
	v57 =	vor.u32 v55, v56  }
0x128: {  	s21 =	sadd.s32 $0x10, s21;
	v58 =	vand.u32 $0xFFFFFC00, v3;
	[tilespmem:s22+$0x1450] =	vst v1;
	v0 =	vadd.s32 v0, v2;
	v59 =	vor.u32 v7, v57  }
0x129: {  	s23 =	sadd.s32 $0x100, s23;
	s21 =	sand.u32 $0x3FFFFF80, s21;
	[tilespmem:s22+$0x1460] =	vst v0;
	v60 =	vadd.s32 v58, v59  }
0x12a: {  	s31 =	sadd.s32 $0x1400, s22;
	s21 =	sadd.s32 s21, s23;
	[tilespmem:s22+$0x1470] =	vst v60  }
0x12b: {  	[tilespmem:s21], [sflag:$0x3] =	stream.indirect.gather [hbm4b:s1+s15], $0x1, s31, s15, $0xb8;
	[tilespmem:$0x2080] =	vst v63  }
0x12c: {  	_ =	swait.ge [sflag:s16], $0x400  }
0x12d: {  	[sflag:s16] =	ssyncset.done $0x0  }
0x12e: {  	[sflag:s16] =	ssyncadd.s32 $0xFFFFFC00  }
0x12f: {  	v0 =	vld [tilespmem:$0x1800]  }
0x130: {  	v1 =	vld [tilespmem:$0x1840]  }
0x131: {  	v2 =	vld [tilespmem:$0x1810]  }
0x132: {  	v3 =	vld [tilespmem:$0x1850]  }
0x133: {  	v4 =	vld [tilespmem:$0x1820]  }
0x134: {  	v5 =	vld [tilespmem:$0x1860]  }
0x135: {  	v6 =	vld [tilespmem:$0x1830]  }
0x136: {  	v7 =	vld [tilespmem:$0x1870]  }
0x137: {  	v8 =	vld [tilespmem:$0x1900]  }
0x138: {  	v9 =	vld [tilespmem:$0x1940]  }
0x139: {  	v10 =	vld [tilespmem:$0x1910]  }
0x13a: {  	v11 =	vld [tilespmem:$0x1950]  }
0x13b: {  	v12 =	vld [tilespmem:$0x1920]  }
0x13c: {  	v13 =	vld [tilespmem:$0x1960]  }
0x13d: {  	v14 =	vld [tilespmem:$0x1930]  }
0x13e: {  	v15 =	vld [tilespmem:$0x1970]  }
0x13f: {  	v16 =	vld [tilespmem:$0x1A00]  }
0x140: {  	v17 =	vld [tilespmem:$0x1A40]  }
0x141: {  	v18 =	vld [tilespmem:$0x1A10]  }
0x142: {  	v19 =	vld [tilespmem:$0x1A50]  }
0x143: {  	v20 =	vld [tilespmem:$0x1A20]  }
0x144: {  	v21 =	vld [tilespmem:$0x1A60]  }
0x145: {  	v22 =	vld [tilespmem:$0x1A30]  }
0x146: {  	v23 =	vld [tilespmem:$0x1A70]  }
0x147: {  	v24 =	vld [tilespmem:$0x1B00]  }
0x148: {  	v25 =	vld [tilespmem:$0x1B40]  }
0x149: {  	v26 =	vld [tilespmem:$0x1B10]  }
0x14a: {  	v27 =	vld [tilespmem:$0x1B50]  }
0x14b: {  	v28 =	vld [tilespmem:$0x1B20]  }
0x14c: {  	v29 =	vld [tilespmem:$0x1B60]  }
0x14d: {  	v30 =	vld [tilespmem:$0x1B30]  }
0x14e: {  	v31 =	vld [tilespmem:$0x1B70]  }
0x14f: {  	v32 =	vld [tilespmem:$0x1C00]  }
0x150: {  	v33 =	vld [tilespmem:$0x1C40]  }
0x151: {  	v34 =	vld [tilespmem:$0x1C10]  }
0x152: {  	v35 =	vld [tilespmem:$0x1C50]  }
0x153: {  	v36 =	vld [tilespmem:$0x1C20]  }
0x154: {  	v37 =	vld [tilespmem:$0x1C60]  }
0x155: {  	v38 =	vld [tilespmem:$0x1C30]  }
0x156: {  	v39 =	vld [tilespmem:$0x1C70]  }
0x157: {  	v40 =	vld [tilespmem:$0x1D00]  }
0x158: {  	v49 =	vld [tilespmem:$0x1D40]  }
0x159: {  	v42 =	vld [tilespmem:$0x1D10]  }
0x15a: {  	v43 =	vld [tilespmem:$0x1D50]  }
0x15b: {  	v44 =	vld [tilespmem:$0x1D20]  }
0x15c: {  	v45 =	vld [tilespmem:$0x1D60]  }
0x15d: {  	v46 =	vld [tilespmem:$0x1D30]  }
0x15e: {  	v47 =	vld [tilespmem:$0x1D70]  }
0x15f: {  	v48 =	vld [tilespmem:$0x1E00]  }
0x160: {  	v63 =	vld [tilespmem:$0x1E40]  }
0x161: {  	v50 =	vld [tilespmem:$0x1E10]  }
0x162: {  	v51 =	vld [tilespmem:$0x1E50]  }
0x163: {  	v52 =	vld [tilespmem:$0x1E20]  }
0x164: {  	v53 =	vld [tilespmem:$0x1E60]  }
0x165: {  	v41 =	vld [tilespmem:$0x1F40]  }
0x166: {  	v61 =	vld [tilespmem:$0x1F50]  }
0x167: {  	v62 =	vld [tilespmem:$0x1F60]  }
0x168: {  	v57 =	vld [tilespmem:$0x1F70]  }
0x169: {  	v54 =	vld [tilespmem:$0x1E30]  }
0x16a: {  	v55 =	vld [tilespmem:$0x1E70];
	[tilespmem:$0x1FF90] =	vst v41  }
0x16b: {  	v56 =	vld [tilespmem:$0x1F00];
	[tilespmem:$0x1FFA0] =	vst v61  }
0x16c: {  	v58 =	vld [tilespmem:$0x1F10];
	[tilespmem:$0x1FFB0] =	vst v62  }
0x16d: {  	v60 =	vld [tilespmem:$0x1F20];
	[tilespmem:$0x1FFC0] =	vst v57  }
0x16e: {  	v62 =	vld [tilespmem:$0x1F30];
	_ =	swait.ge [sflag:s17], $0x400  }
0x16f: {  	[sflag:s17] =	ssyncset.done $0x0  }
0x170: {  	[sflag:s17] =	ssyncadd.s32 $0xFFFFFC00  }
0x171: {  	v61 =	vld [tilespmem:$0x1880]  }
0x172: {  	v59 =	vld [tilespmem:$0x18C0]  }
0x173: {  	v0 =	vadd.f32 $0.0e+00, v0;
	v2 =	vadd.f32 $0.0e+00, v2;
	v57 =	vld [tilespmem:$0x18D0]  }
0x174: {  	v4 =	vadd.f32 $0.0e+00, v4;
	v6 =	vadd.f32 $0.0e+00, v6;
	v41 =	vld [tilespmem:$0x18E0]  }
0x175: {  	v0 =	vadd.f32 v1, v0;
	v1 =	vadd.f32 v3, v2;
	v2 =	vld [tilespmem:$0x18F0]  }
0x176: {  	v3 =	vadd.f32 v5, v4;
	v5 =	vld [tilespmem:$0x1980]  }
0x177: {  	v4 =	vadd.f32 v7, v6;
	v6 =	vld [tilespmem:$0x19C0]  }
0x178: {  	v7 =	vld [tilespmem:$0x1990]  }
0x179: {  	v0 =	vadd.f32 v8, v0;
	v8 =	vld [tilespmem:$0x19D0]  }
0x17a: {  	v1 =	vadd.f32 v10, v1;
	v10 =	vld [tilespmem:$0x19E0]  }
0x17b: {  	v3 =	vadd.f32 v12, v3;
	v12 =	vld [tilespmem:$0x19F0]  }
0x17c: {  	v4 =	vadd.f32 v14, v4;
	v14 =	vld [tilespmem:$0x1AC0]  }
0x17d: {  	v0 =	vadd.f32 v9, v0;
	v9 =	vld [tilespmem:$0x19A0]  }
0x17e: {  	v1 =	vadd.f32 v11, v1;
	v11 =	vld [tilespmem:$0x19B0]  }
0x17f: {  	v3 =	vadd.f32 v13, v3;
	v13 =	vld [tilespmem:$0x1A80]  }
0x180: {  	v4 =	vadd.f32 v15, v4;
	v15 =	vld [tilespmem:$0x1A90]  }
0x181: {  	v0 =	vadd.f32 v16, v0;
	v16 =	vld [tilespmem:$0x1AD0]  }
0x182: {  	v1 =	vadd.f32 v18, v1;
	v18 =	vld [tilespmem:$0x1AE0]  }
0x183: {  	v3 =	vadd.f32 v20, v3;
	v20 =	vld [tilespmem:$0x1AF0]  }
0x184: {  	v4 =	vadd.f32 v22, v4;
	v22 =	vld [tilespmem:$0x1BC0]  }
0x185: {  	[tilespmem:$0x1FFD0] =	vst v59;
	v59 =	vld [tilespmem:$0x1890];
	v0 =	vadd.f32 v17, v0  }
0x186: {  	[tilespmem:$0x1FFE0] =	vst v57;
	v57 =	vld [tilespmem:$0x18A0];
	v3 =	vadd.f32 v21, v3  }
0x187: {  	[tilespmem:$0x1FFF0] =	vst v41;
	v41 =	vld [tilespmem:$0x18B0];
	v4 =	vadd.f32 v23, v4;
	v0 =	vadd.f32 v24, v0  }
0x188: {  	v1 =	vadd.f32 v19, v1;
	v17 =	vld [tilespmem:$0x1AA0];
	v3 =	vadd.f32 v28, v3  }
0x189: {  	v19 =	vld [tilespmem:$0x1AB0];
	v4 =	vadd.f32 v30, v4;
	v0 =	vadd.f32 v25, v0  }
0x18a: {  	v21 =	vld [tilespmem:$0x1B80];
	v1 =	vadd.f32 v26, v1;
	v3 =	vadd.f32 v29, v3  }
0x18b: {  	v23 =	vld [tilespmem:$0x1B90];
	v4 =	vadd.f32 v31, v4;
	v0 =	vadd.f32 v32, v0  }
0x18c: {  	v24 =	vld [tilespmem:$0x1BD0];
	v1 =	vadd.f32 v27, v1;
	v3 =	vadd.f32 v36, v3  }
0x18d: {  	v26 =	vld [tilespmem:$0x1BE0];
	v4 =	vadd.f32 v38, v4;
	v0 =	vadd.f32 v33, v0  }
0x18e: {  	v30 =	vld [tilespmem:$0x1CC0];
	v1 =	vadd.f32 v34, v1;
	v3 =	vadd.f32 v37, v3  }
0x18f: {  	v29 =	vld [tilespmem:$0x1C80];
	v4 =	vadd.f32 v39, v4;
	v0 =	vadd.f32 v40, v0  }
0x190: {  	v31 =	vld [tilespmem:$0x1C90];
	v1 =	vadd.f32 v35, v1;
	v3 =	vadd.f32 v44, v3  }
0x191: {  	v32 =	vld [tilespmem:$0x1CD0];
	v4 =	vadd.f32 v46, v4;
	v0 =	vadd.f32 v49, v0  }
0x192: {  	v39 =	vld [tilespmem:$0x1D80];
	v1 =	vadd.f32 v42, v1;
	v3 =	vadd.f32 v45, v3  }
0x193: {  	v40 =	vld [tilespmem:$0x1DC0];
	v4 =	vadd.f32 v47, v4;
	v0 =	vadd.f32 v48, v0  }
0x194: {  	v1 =	vadd.f32 v43, v1;
	v3 =	vadd.f32 v52, v3;
	v52 =	vld [tilespmem:$0x1FF90]  }
0x195: {  	v4 =	vadd.f32 v54, v4;
	v54 =	vld [tilespmem:$0x1FFB0];
	v0 =	vadd.f32 v63, v0  }
0x196: {  	v1 =	vadd.f32 v50, v1;
	v3 =	vadd.f32 v53, v3;
	v53 =	vld [tilespmem:$0x1FFA0]  }
0x197: {  	v4 =	vadd.f32 v55, v4;
	v55 =	vld [tilespmem:$0x1FFC0];
	v0 =	vadd.f32 v56, v0  }
0x198: {  	v42 =	vld [tilespmem:$0x1DD0];
	v1 =	vadd.f32 v51, v1  }
0x199: {  	v63 =	vld [tilespmem:$0x1FFF0];
	v3 =	vadd.f32 v60, v3;
	v0 =	vadd.f32 v52, v0  }
0x19a: {  	v1 =	vadd.f32 v58, v1;
	v4 =	vadd.f32 v62, v4;
	v60 =	vld [tilespmem:$0x1FFD0]  }
0x19b: {  	v3 =	vadd.f32 v54, v3;
	v0 =	vadd.f32 v61, v0;
	v61 =	vld [tilespmem:$0x1FFE0]  }
0x19c: {  	v44 =	vld [tilespmem:$0x1DE0];
	v1 =	vadd.f32 v53, v1;
	v4 =	vadd.f32 v55, v4  }
0x19d: {  	v46 =	vld [tilespmem:$0x1DF0];
	v3 =	vadd.f32 v57, v3  }
0x19e: {  	v49 =	vld [tilespmem:$0x1BA0];
	v1 =	vadd.f32 v59, v1;
	v4 =	vadd.f32 v41, v4  }
0x19f: {  	v43 =	vld [tilespmem:$0x1DA0];
	v0 =	vadd.f32 v60, v0;
	v3 =	vadd.f32 v63, v3  }
0x1a0: {  	v45 =	vld [tilespmem:$0x1DB0];
	v2 =	vadd.f32 v2, v4;
	v1 =	vadd.f32 v61, v1  }
0x1a1: {  	v47 =	vld [tilespmem:$0x1E80];
	v0 =	vadd.f32 v5, v0;
	v3 =	vadd.f32 v9, v3  }
0x1a2: {  	v50 =	vld [tilespmem:$0x1BB0];
	v2 =	vadd.f32 v11, v2;
	v1 =	vadd.f32 v7, v1  }
0x1a3: {  	v48 =	vld [tilespmem:$0x1EC0];
	v0 =	vadd.f32 v6, v0;
	v3 =	vadd.f32 v10, v3  }
0x1a4: {  	v51 =	vld [tilespmem:$0x1BF0];
	v2 =	vadd.f32 v12, v2;
	v1 =	vadd.f32 v8, v1  }
0x1a5: {  	v56 =	vld [tilespmem:$0x1CA0];
	v0 =	vadd.f32 v13, v0;
	v3 =	vadd.f32 v17, v3  }
0x1a6: {  	v58 =	vld [tilespmem:$0x1CE0];
	v2 =	vadd.f32 v19, v2;
	v1 =	vadd.f32 v15, v1  }
0x1a7: {  	v62 =	vld [tilespmem:$0x1CF0];
	v0 =	vadd.f32 v14, v0;
	v3 =	vadd.f32 v18, v3  }
0x1a8: {  	v52 =	vld [tilespmem:$0x1EE0];
	v2 =	vadd.f32 v20, v2;
	v1 =	vadd.f32 v16, v1  }
0x1a9: {  	v59 =	vld [tilespmem:$0x1CB0];
	v0 =	vadd.f32 v21, v0;
	v3 =	vadd.f32 v49, v3  }
0x1aa: {  	v54 =	vld [tilespmem:$0x1EF0];
	v2 =	vadd.f32 v50, v2;
	v1 =	vadd.f32 v23, v1  }
0x1ab: {  	v53 =	vld [tilespmem:$0x1EB0];
	v0 =	vadd.f32 v22, v0;
	v3 =	vadd.f32 v26, v3  }
0x1ac: {  	v55 =	vld [tilespmem:$0x1F80];
	v2 =	vadd.f32 v51, v2;
	v1 =	vadd.f32 v24, v1  }
0x1ad: {  	v41 =	vld [tilespmem:$0x1D90];
	v0 =	vadd.f32 v29, v0;
	v3 =	vadd.f32 v56, v3  }
0x1ae: {  	v57 =	vld [tilespmem:$0x1F90];
	v2 =	vadd.f32 v59, v2;
	v1 =	vadd.f32 v31, v1  }
0x1af: {  	v60 =	vld [tilespmem:$0x1FB0];
	v0 =	vadd.f32 v30, v0;
	v3 =	vadd.f32 v58, v3  }
0x1b0: {  	v51 =	vld [tilespmem:$0x1EA0];
	v2 =	vadd.f32 v62, v2;
	v1 =	vadd.f32 v32, v1  }
0x1b1: {  	v49 =	vld [tilespmem:$0x1E90];
	v0 =	vadd.f32 v39, v0;
	v3 =	vadd.f32 v43, v3  }
0x1b2: {  	v61 =	vld [tilespmem:$0x1FE0];
	v2 =	vadd.f32 v45, v2;
	v1 =	vadd.f32 v41, v1  }
0x1b3: {  	v50 =	vld [tilespmem:$0x1ED0];
	v0 =	vadd.f32 v40, v0;
	v3 =	vadd.f32 v44, v3  }
0x1b4: {  	v59 =	vld [tilespmem:$0x1FA0];
	v2 =	vadd.f32 v46, v2;
	v1 =	vadd.f32 v42, v1  }
0x1b5: {  	v56 =	vld [tilespmem:$0x1FC0];
	v0 =	vadd.f32 v47, v0;
	v3 =	vadd.f32 v51, v3  }
0x1b6: {  	v58 =	vld [tilespmem:$0x1FD0];
	v2 =	vadd.f32 v53, v2;
	v1 =	vadd.f32 v49, v1  }
0x1b7: {  	v62 =	vld [tilespmem:$0x1FF0];
	v0 =	vadd.f32 v48, v0;
	v3 =	vadd.f32 v52, v3  }
0x1b8: {  	v2 =	vadd.f32 v54, v2;
	v1 =	vadd.f32 v50, v1  }
0x1b9: {  	v0 =	vadd.f32 v55, v0;
	v3 =	vadd.f32 v59, v3  }
0x1ba: {  	v2 =	vadd.f32 v60, v2;
	v1 =	vadd.f32 v57, v1  }
0x1bb: {  	v0 =	vadd.f32 v56, v0;
	v3 =	vadd.f32 v61, v3  }
0x1bc: {  	v2 =	vadd.f32 v62, v2;
	v1 =	vadd.f32 v58, v1;
	_ =	sdelay $0x1  }
0x1bd: {  	v63 =	vadd.f32 v2, v3;
	v0 =	vadd.f32 v1, v0;
	_ =	sdelay $0x1  }
0x1be: {  	s20 =	sadd.s32 $0x1, s20;
	v0 =	vadd.f32 v63, v0  }
0x1bf: {  	p0 =	sne.s32 s20, s10  }
.Ltmp2:
0x1c0: {  	[tilespmem:$0x2000] =	vst v0;
	(pc) =	sbr.rel @p0 .LBB2_1-.Ltmp2, $4  }
0x1c1: {  	[hbm4b:s9+s3] =	stream.linear.scatter [tilespmem:s18], [sflag:$0x4], $0x80, $0x38;
	[tilespmem:$0x2080] =	vst v63  }
0x1c2: {  	_ =	swait.ge [sflag:s19], $0x80  }
0x1c3: {  	[sflag:s19] =	ssyncset.done $0x0  }
0x1c4: {  	[sflag:s19] =	ssyncadd.s32 $0xFFFFFF80  }
0x1c5: {  	_ =	sfence.sel $0x180000  }
0x1c6: {  	[bflag:$0x0] =	sbarrier.arrive $0xFFFF  }
0x1c7: {  	p0 =	sne.s32 s2, $0x0;
	_ =	strace $0x90000047  }
0x1c8: {  	s0 =	sadd.s32 @!p0 $0x100000, s0;
	[bflag:$0x2] =	sbarrier.arrive $0xFFFF  }
0x1c9: {  	[sflag:s0] =	ssyncadd.tile.s32 @!p0 $0x1;
	_ =	shalt  }
.Lfunc_end2:
_tile_overlayer_lowered:
.L_overlay_start_2:
0x1ca: {  	(tag) =	ssettag $0x2  }
0x1cb: {  	s0 =	rddreg [dreg:$0x0];
	s2 =	stileid.u32  }
0x1cc: {  	s1 =	rddreg [dreg:$0x1];
	p0 =	sne.s32 s2, $0x0  }
0x1cd: {  	s3 =	rddreg [dreg:$0x2];
	[bflag:$0x3] =	sbarrier.arrive $0xFFFF;
	s2 =	simm.s32 @!p0 $0x1C04  }
0x1ce: {  	[timem:s3], [sflag:s2] =	dma.local @!p0 [hbm:s0], s1  }
0x1cf: {  	s0 =	simm.s32 @!p0 $0x4  }
0x1d0: {  	_ =	swait.ge @!p0 [sflag:s0], s1  }
0x1d1: {  	s1 =	ssub.s32 @!p0 $0x0, s1;
	[sflag:s0] =	ssyncset.done @!p0 $0x0  }
0x1d2: {  	[sflag:s0] =	ssyncadd.s32 @!p0 s1  }
0x1d3: {  	[bflag:$0x3] =	sbarrier.arrive $0xFFFF  }
0x1d4: {  	_ =	shalt  }

</sc_bundles>
